<compile_context>
chip_gen: v7x
topology: tpu7x:2x2x1
jax: 0.10.2.dev20260603
libtpu: 0.0.44.dev20260713+nightly
codegen_flags: <defaults>
</compile_context>

<pallas_src>
import jax
import jax.numpy as jnp
from jax import lax
from jax.experimental import pallas as pl
from jax.experimental.pallas import tpu as pltpu
from jax.experimental.pallas import tpu_sc as plsc

_D = 64
_B = 16384
_W = 128

_INFO = plsc.get_sparse_core_info()
_NC = _INFO.num_cores
_NS = _INFO.num_subcores
_NW = _NC * _NS
_BPW = _B // _NW
_CHUNK = 128
_NCHUNK = _BPW // _CHUNK
_L = 16
_NV = _D // _L
_EPS = 1e-5


def _ln_body(ids_hbm, t2_hbm, gamma_hbm, beta_hbm, out_hbm,
             idx_v, rows_v, out_v, gam_v, bet_v, sem):
    wid = lax.axis_index("s") * _NC + lax.axis_index("c")
    base = wid * _BPW

    pltpu.sync_copy(gamma_hbm, gam_v)
    pltpu.sync_copy(beta_hbm, bet_v)
    for c in range(_NCHUNK):
        pltpu.sync_copy(ids_hbm.at[pl.ds(base + c * _CHUNK, _CHUNK)],
                        idx_v.at[c])

    def fire(gi, carry):
        iv = idx_v[gi >> 3, pl.ds((gi & 7) * _L, _L)]
        pltpu.async_copy(t2_hbm.at[iv],
                         rows_v.at[pl.ds(gi * _L, _L)], sem)
        return carry

    lax.fori_loop(0, _BPW // _L, fire, 0)
    drain = pltpu.make_async_copy(
        t2_hbm.at[pl.ds(0, _BPW)], rows_v, sem)

    g = [gam_v[pl.ds(k * _L, _L)] for k in range(_NV)]
    b = [bet_v[pl.ds(k * _L, _L)] for k in range(_NV)]
    inv_d = jnp.full((_L,), 1.0 / _D, jnp.float32)
    eps_v = jnp.full((_L,), _EPS, jnp.float32)

    def splat_total(v):
        cs = plsc.cumsum(v)
        suf = lax.rev(plsc.cumsum(lax.rev(v, (0,))), (0,))
        return cs + suf - v

    def row(r, carry):
        x = [rows_v[r, pl.ds(k * _L, _L)] for k in range(_NV)]
        mean = splat_total(x[0] + x[1] + x[2] + x[3]) * inv_d
        d = [xk - mean for xk in x]
        t = splat_total(d[0] * d[0] + d[1] * d[1] + d[2] * d[2]
                        + d[3] * d[3]) * inv_d + eps_v
        y = plsc.bitcast(
            jnp.int32(0x5F3759DF) - (plsc.bitcast(t, jnp.int32) >> 1),
            jnp.float32)
        half_t = t * jnp.float32(0.5)
        for _ in range(3):
            y = y * (jnp.float32(1.5) - half_t * y * y)
        oo = r * _D
        for k in range(_NV):
            out_v[pl.ds(oo + k * _L, _L)] = d[k] * y * g[k] + b[k]
        return carry

    drain.wait()
    lax.fori_loop(0, _BPW, row, 0, unroll=4)

    pltpu.sync_copy(out_v, out_hbm.at[pl.ds(base * _D, _BPW * _D)])


@jax.jit
def _ln_embed(ids, t2, gamma, beta):
    mesh = plsc.VectorSubcoreMesh(core_axis_name="c", subcore_axis_name="s")
    return pl.kernel(
        _ln_body,
        out_type=jax.ShapeDtypeStruct((_B * _D,), jnp.float32),
        mesh=mesh,
        compiler_params=pltpu.CompilerParams(
            needs_layout_passes=False, use_tc_tiling_on_sc=True),
        scratch_types=[
            pltpu.VMEM((_NCHUNK, _CHUNK), jnp.int32),
            pltpu.VMEM((_BPW, _W), jnp.float32),
            pltpu.VMEM((_BPW * _D,), jnp.float32),
            pltpu.VMEM((_D,), jnp.float32),
            pltpu.VMEM((_D,), jnp.float32),
            pltpu.SemaphoreType.DMA,
        ],
    )(ids, t2, gamma, beta)


def kernel(composer_ids, table, ln_gamma, ln_beta):
    ids = composer_ids.astype(jnp.int32)
    t2 = jnp.pad(table, ((0, 0), (0, _W - _D)))
    flat = _ln_embed(ids, t2, ln_gamma, ln_beta)
    return flat.reshape(_B, _D)

# --- scband reference (transcript-rebuilt; emitter-appended) ---
"""Pipeline reference for scband-composer-embedding-43722767073413 (READ-ONLY COPY).

The authoritative reference and input builder live on the scoring server;
editing this copy changes nothing except your own understanding.
"""

import jax, jax.numpy as jnp
import numpy as np

NUM_COMPOSERS = 1000000
EMBED_DIM = 64
BATCH = 16384

def setup_inputs(seed: int = 0) -> dict:
    key = jax.random.key(seed)
    k1, k2 = jax.random.split(key)
    composer_ids = jax.random.randint(k1, (BATCH,), 0, NUM_COMPOSERS, dtype=jnp.int64 if jax.config.jax_enable_x64 else jnp.int32)
    table = jax.random.normal(k2, (NUM_COMPOSERS, EMBED_DIM), dtype=jnp.float32) * 0.02
    ln_gamma = jnp.ones((EMBED_DIM,), dtype=jnp.float32)
    ln_beta = jnp.zeros((EMBED_DIM,), dtype=jnp.float32)
    return {"composer_ids": composer_ids, "table": table, "ln_gamma": ln_gamma, "ln_beta": ln_beta}

def _layer_norm(x, gamma, beta, eps=1e-5):
    mean = jnp.mean(x, axis=-1, keepdims=True)
    var = jnp.mean(jnp.square(x - mean), axis=-1, keepdims=True)
    xn = (x - mean) / jnp.sqrt(var + eps)
    return xn * gamma + beta

def reference(composer_ids, table, ln_gamma, ln_beta):
    # Embedding lookup (SparseCore gather)
    emb = jnp.take(table, composer_ids, axis=0)  # [B, D]
    # LayerNorm
    emb = _layer_norm(emb, ln_gamma, ln_beta)
    # Dropout is identity in eval mode
    return emb

if __name__ == "__main__":
    import jax
    _d = setup_inputs()
    print(jax.jit(kernel)(*tuple(_d.values())))

</pallas_src>

<mosaic_0001>
#map = affine_map<(d0, d1) -> (0)>
#map1 = affine_map<(d0, d1) -> (0, 0)>
module attributes {stable_mosaic.version = 14 : i64} {
  func.func @_ln_body(%arg0: i32, %arg1: i32, %arg2: memref<16384xi32, #tpu.memory_space<hbm>>, %arg3: memref<1000000x128xf32, #tpu.memory_space<hbm>>, %arg4: memref<64xf32, #tpu.memory_space<hbm>>, %arg5: memref<64xf32, #tpu.memory_space<hbm>>, %arg6: memref<1048576xf32, #tpu.memory_space<hbm>>, %arg7: memref<4x128xi32, #tpu.memory_space<vmem>>, %arg8: memref<512x128xf32, #tpu.memory_space<vmem>>, %arg9: memref<32768xf32, #tpu.memory_space<vmem>>, %arg10: memref<64xf32, #tpu.memory_space<vmem>>, %arg11: memref<64xf32, #tpu.memory_space<vmem>>, %arg12: memref<!tpu.dma_semaphore, #tpu.memory_space<semaphore_mem>>) attributes {dimension_semantics = [#tpu.dimension_semantics<core_parallel>, #tpu.dimension_semantics<subcore_parallel>], iteration_bounds = array<i64: 2, 16>, scalar_prefetch = 0 : i64, scratch_operands = 6 : i64, tpu.core_type = #tpu.core_type<sc_vector_subcore>, window_params = [{transform_indices = #map}, {transform_indices = #map1}, {transform_indices = #map}, {transform_indices = #map}, {transform_indices = #map}]} {
    %mul3A = arith.constant 2 : i32
    %mul3A_0 = arith.muli %arg1, %mul3A : i32
    %add3A = arith.addi %mul3A_0, %arg0 : i32
    %mul3A_1 = arith.constant 512 : i32
    %mul3A_2 = arith.muli %add3A, %mul3A_1 : i32
    "tpu.region"() ({
      %run_scoped3A_50 = tpu.sem_alloc : memref<!tpu.dma_semaphore, #tpu.memory_space<semaphore_mem>>
      tpu.enqueue_dma source(%arg4 : memref<64xf32, #tpu.memory_space<hbm>>) target(%arg10 : memref<64xf32, #tpu.memory_space<vmem>>) target_semaphore(%run_scoped3A_50 : memref<!tpu.dma_semaphore, #tpu.memory_space<semaphore_mem>>)
      tpu.wait_dma2 semaphore(%run_scoped3A_50 : memref<!tpu.dma_semaphore, #tpu.memory_space<semaphore_mem>>) src(%arg4 : memref<64xf32, #tpu.memory_space<hbm>>) dst(%arg10 : memref<64xf32, #tpu.memory_space<vmem>>)
      tpu.yield
    }) : () -> ()
    "tpu.region"() ({
      %run_scoped3A_50 = tpu.sem_alloc : memref<!tpu.dma_semaphore, #tpu.memory_space<semaphore_mem>>
      tpu.enqueue_dma source(%arg5 : memref<64xf32, #tpu.memory_space<hbm>>) target(%arg11 : memref<64xf32, #tpu.memory_space<vmem>>) target_semaphore(%run_scoped3A_50 : memref<!tpu.dma_semaphore, #tpu.memory_space<semaphore_mem>>)
      tpu.wait_dma2 semaphore(%run_scoped3A_50 : memref<!tpu.dma_semaphore, #tpu.memory_space<semaphore_mem>>) src(%arg5 : memref<64xf32, #tpu.memory_space<hbm>>) dst(%arg11 : memref<64xf32, #tpu.memory_space<vmem>>)
      tpu.yield
    }) : () -> ()
    %add3A_3 = arith.constant 0 : i32
    %add3A_4 = arith.addi %mul3A_2, %add3A_3 : i32
    %run_scoped3A = arith.constant 0 : i32
    "tpu.region"() ({
      %run_scoped3A_50 = tpu.sem_alloc : memref<!tpu.dma_semaphore, #tpu.memory_space<semaphore_mem>>
      %dma_start3A = arith.constant 0 : i32
      %dma_start3A_51 = tpu.memref_slice %arg7[%run_scoped3A, %dma_start3A] : memref<4x128xi32, #tpu.memory_space<vmem>> -> memref<1x128xi32, #tpu.memory_space<vmem>>
      %dma_start3A_52 = tpu.memref_squeeze %dma_start3A_51 : memref<1x128xi32, #tpu.memory_space<vmem>> -> memref<128xi32, #tpu.memory_space<vmem>>
      %dma_start3A_53 = tpu.memref_slice %arg2[%add3A_4] : memref<16384xi32, #tpu.memory_space<hbm>> -> memref<128xi32, #tpu.memory_space<hbm>>
      %dma_start3A_54 = arith.constant 0 : i32
      %dma_start3A_55 = tpu.memref_slice %arg7[%run_scoped3A, %dma_start3A_54] : memref<4x128xi32, #tpu.memory_space<vmem>> -> memref<1x128xi32, #tpu.memory_space<vmem>>
      %dma_start3A_56 = tpu.memref_squeeze %dma_start3A_55 : memref<1x128xi32, #tpu.memory_space<vmem>> -> memref<128xi32, #tpu.memory_space<vmem>>
      %dma_start3A_57 = tpu.memref_slice %arg2[%add3A_4] : memref<16384xi32, #tpu.memory_space<hbm>> -> memref<128xi32, #tpu.memory_space<hbm>>
      tpu.enqueue_dma source(%dma_start3A_57 : memref<128xi32, #tpu.memory_space<hbm>>) target(%dma_start3A_56 : memref<128xi32, #tpu.memory_space<vmem>>) target_semaphore(%run_scoped3A_50 : memref<!tpu.dma_semaphore, #tpu.memory_space<semaphore_mem>>)
      %dma_wait3A_58 = arith.constant 0 : i32
      %dma_wait3A_59 = tpu.memref_slice %arg7[%run_scoped3A, %dma_wait3A_58] : memref<4x128xi32, #tpu.memory_space<vmem>> -> memref<1x128xi32, #tpu.memory_space<vmem>>
      %dma_wait3A_60 = tpu.memref_squeeze %dma_wait3A_59 : memref<1x128xi32, #tpu.memory_space<vmem>> -> memref<128xi32, #tpu.memory_space<vmem>>
      %dma_wait3A_61 = tpu.memref_slice %arg2[%add3A_4] : memref<16384xi32, #tpu.memory_space<hbm>> -> memref<128xi32, #tpu.memory_space<hbm>>
      %dma_wait3A_62 = arith.constant 0 : i32
      %dma_wait3A_63 = tpu.memref_slice %arg7[%run_scoped3A, %dma_wait3A_62] : memref<4x128xi32, #tpu.memory_space<vmem>> -> memref<1x128xi32, #tpu.memory_space<vmem>>
      %dma_wait3A_64 = tpu.memref_squeeze %dma_wait3A_63 : memref<1x128xi32, #tpu.memory_space<vmem>> -> memref<128xi32, #tpu.memory_space<vmem>>
      %dma_wait3A_65 = tpu.memref_slice %arg2[%add3A_4] : memref<16384xi32, #tpu.memory_space<hbm>> -> memref<128xi32, #tpu.memory_space<hbm>>
      tpu.wait_dma2 semaphore(%run_scoped3A_50 : memref<!tpu.dma_semaphore, #tpu.memory_space<semaphore_mem>>) src(%dma_wait3A_65 : memref<128xi32, #tpu.memory_space<hbm>>) dst(%dma_wait3A_64 : memref<128xi32, #tpu.memory_space<vmem>>)
      tpu.yield
    }) : () -> ()
    %add3A_5 = arith.constant 128 : i32
    %add3A_6 = arith.addi %mul3A_2, %add3A_5 : i32
    %run_scoped3A_7 = arith.constant 1 : i32
    "tpu.region"() ({
      %run_scoped3A_50 = tpu.sem_alloc : memref<!tpu.dma_semaphore, #tpu.memory_space<semaphore_mem>>
      %dma_start3A = arith.constant 0 : i32
      %dma_start3A_51 = tpu.memref_slice %arg7[%run_scoped3A_7, %dma_start3A] : memref<4x128xi32, #tpu.memory_space<vmem>> -> memref<1x128xi32, #tpu.memory_space<vmem>>
      %dma_start3A_52 = tpu.memref_squeeze %dma_start3A_51 : memref<1x128xi32, #tpu.memory_space<vmem>> -> memref<128xi32, #tpu.memory_space<vmem>>
      %dma_start3A_53 = tpu.memref_slice %arg2[%add3A_6] : memref<16384xi32, #tpu.memory_space<hbm>> -> memref<128xi32, #tpu.memory_space<hbm>>
      %dma_start3A_54 = arith.constant 0 : i32
      %dma_start3A_55 = tpu.memref_slice %arg7[%run_scoped3A_7, %dma_start3A_54] : memref<4x128xi32, #tpu.memory_space<vmem>> -> memref<1x128xi32, #tpu.memory_space<vmem>>
      %dma_start3A_56 = tpu.memref_squeeze %dma_start3A_55 : memref<1x128xi32, #tpu.memory_space<vmem>> -> memref<128xi32, #tpu.memory_space<vmem>>
      %dma_start3A_57 = tpu.memref_slice %arg2[%add3A_6] : memref<16384xi32, #tpu.memory_space<hbm>> -> memref<128xi32, #tpu.memory_space<hbm>>
      tpu.enqueue_dma source(%dma_start3A_57 : memref<128xi32, #tpu.memory_space<hbm>>) target(%dma_start3A_56 : memref<128xi32, #tpu.memory_space<vmem>>) target_semaphore(%run_scoped3A_50 : memref<!tpu.dma_semaphore, #tpu.memory_space<semaphore_mem>>)
      %dma_wait3A_58 = arith.constant 0 : i32
      %dma_wait3A_59 = tpu.memref_slice %arg7[%run_scoped3A_7, %dma_wait3A_58] : memref<4x128xi32, #tpu.memory_space<vmem>> -> memref<1x128xi32, #tpu.memory_space<vmem>>
      %dma_wait3A_60 = tpu.memref_squeeze %dma_wait3A_59 : memref<1x128xi32, #tpu.memory_space<vmem>> -> memref<128xi32, #tpu.memory_space<vmem>>
      %dma_wait3A_61 = tpu.memref_slice %arg2[%add3A_6] : memref<16384xi32, #tpu.memory_space<hbm>> -> memref<128xi32, #tpu.memory_space<hbm>>
      %dma_wait3A_62 = arith.constant 0 : i32
      %dma_wait3A_63 = tpu.memref_slice %arg7[%run_scoped3A_7, %dma_wait3A_62] : memref<4x128xi32, #tpu.memory_space<vmem>> -> memref<1x128xi32, #tpu.memory_space<vmem>>
      %dma_wait3A_64 = tpu.memref_squeeze %dma_wait3A_63 : memref<1x128xi32, #tpu.memory_space<vmem>> -> memref<128xi32, #tpu.memory_space<vmem>>
      %dma_wait3A_65 = tpu.memref_slice %arg2[%add3A_6] : memref<16384xi32, #tpu.memory_space<hbm>> -> memref<128xi32, #tpu.memory_space<hbm>>
      tpu.wait_dma2 semaphore(%run_scoped3A_50 : memref<!tpu.dma_semaphore, #tpu.memory_space<semaphore_mem>>) src(%dma_wait3A_65 : memref<128xi32, #tpu.memory_space<hbm>>) dst(%dma_wait3A_64 : memref<128xi32, #tpu.memory_space<vmem>>)
      tpu.yield
    }) : () -> ()
    %add3A_8 = arith.constant 256 : i32
    %add3A_9 = arith.addi %mul3A_2, %add3A_8 : i32
    %run_scoped3A_10 = arith.constant 2 : i32
    "tpu.region"() ({
      %run_scoped3A_50 = tpu.sem_alloc : memref<!tpu.dma_semaphore, #tpu.memory_space<semaphore_mem>>
      %dma_start3A = arith.constant 0 : i32
      %dma_start3A_51 = tpu.memref_slice %arg7[%run_scoped3A_10, %dma_start3A] : memref<4x128xi32, #tpu.memory_space<vmem>> -> memref<1x128xi32, #tpu.memory_space<vmem>>
      %dma_start3A_52 = tpu.memref_squeeze %dma_start3A_51 : memref<1x128xi32, #tpu.memory_space<vmem>> -> memref<128xi32, #tpu.memory_space<vmem>>
      %dma_start3A_53 = tpu.memref_slice %arg2[%add3A_9] : memref<16384xi32, #tpu.memory_space<hbm>> -> memref<128xi32, #tpu.memory_space<hbm>>
      %dma_start3A_54 = arith.constant 0 : i32
      %dma_start3A_55 = tpu.memref_slice %arg7[%run_scoped3A_10, %dma_start3A_54] : memref<4x128xi32, #tpu.memory_space<vmem>> -> memref<1x128xi32, #tpu.memory_space<vmem>>
      %dma_start3A_56 = tpu.memref_squeeze %dma_start3A_55 : memref<1x128xi32, #tpu.memory_space<vmem>> -> memref<128xi32, #tpu.memory_space<vmem>>
      %dma_start3A_57 = tpu.memref_slice %arg2[%add3A_9] : memref<16384xi32, #tpu.memory_space<hbm>> -> memref<128xi32, #tpu.memory_space<hbm>>
      tpu.enqueue_dma source(%dma_start3A_57 : memref<128xi32, #tpu.memory_space<hbm>>) target(%dma_start3A_56 : memref<128xi32, #tpu.memory_space<vmem>>) target_semaphore(%run_scoped3A_50 : memref<!tpu.dma_semaphore, #tpu.memory_space<semaphore_mem>>)
      %dma_wait3A_58 = arith.constant 0 : i32
      %dma_wait3A_59 = tpu.memref_slice %arg7[%run_scoped3A_10, %dma_wait3A_58] : memref<4x128xi32, #tpu.memory_space<vmem>> -> memref<1x128xi32, #tpu.memory_space<vmem>>
      %dma_wait3A_60 = tpu.memref_squeeze %dma_wait3A_59 : memref<1x128xi32, #tpu.memory_space<vmem>> -> memref<128xi32, #tpu.memory_space<vmem>>
      %dma_wait3A_61 = tpu.memref_slice %arg2[%add3A_9] : memref<16384xi32, #tpu.memory_space<hbm>> -> memref<128xi32, #tpu.memory_space<hbm>>
      %dma_wait3A_62 = arith.constant 0 : i32
      %dma_wait3A_63 = tpu.memref_slice %arg7[%run_scoped3A_10, %dma_wait3A_62] : memref<4x128xi32, #tpu.memory_space<vmem>> -> memref<1x128xi32, #tpu.memory_space<vmem>>
      %dma_wait3A_64 = tpu.memref_squeeze %dma_wait3A_63 : memref<1x128xi32, #tpu.memory_space<vmem>> -> memref<128xi32, #tpu.memory_space<vmem>>
      %dma_wait3A_65 = tpu.memref_slice %arg2[%add3A_9] : memref<16384xi32, #tpu.memory_space<hbm>> -> memref<128xi32, #tpu.memory_space<hbm>>
      tpu.wait_dma2 semaphore(%run_scoped3A_50 : memref<!tpu.dma_semaphore, #tpu.memory_space<semaphore_mem>>) src(%dma_wait3A_65 : memref<128xi32, #tpu.memory_space<hbm>>) dst(%dma_wait3A_64 : memref<128xi32, #tpu.memory_space<vmem>>)
      tpu.yield
    }) : () -> ()
    %add3A_11 = arith.constant 384 : i32
    %add3A_12 = arith.addi %mul3A_2, %add3A_11 : i32
    %run_scoped3A_13 = arith.constant 3 : i32
    "tpu.region"() ({
      %run_scoped3A_50 = tpu.sem_alloc : memref<!tpu.dma_semaphore, #tpu.memory_space<semaphore_mem>>
      %dma_start3A = arith.constant 0 : i32
      %dma_start3A_51 = tpu.memref_slice %arg7[%run_scoped3A_13, %dma_start3A] : memref<4x128xi32, #tpu.memory_space<vmem>> -> memref<1x128xi32, #tpu.memory_space<vmem>>
      %dma_start3A_52 = tpu.memref_squeeze %dma_start3A_51 : memref<1x128xi32, #tpu.memory_space<vmem>> -> memref<128xi32, #tpu.memory_space<vmem>>
      %dma_start3A_53 = tpu.memref_slice %arg2[%add3A_12] : memref<16384xi32, #tpu.memory_space<hbm>> -> memref<128xi32, #tpu.memory_space<hbm>>
      %dma_start3A_54 = arith.constant 0 : i32
      %dma_start3A_55 = tpu.memref_slice %arg7[%run_scoped3A_13, %dma_start3A_54] : memref<4x128xi32, #tpu.memory_space<vmem>> -> memref<1x128xi32, #tpu.memory_space<vmem>>
      %dma_start3A_56 = tpu.memref_squeeze %dma_start3A_55 : memref<1x128xi32, #tpu.memory_space<vmem>> -> memref<128xi32, #tpu.memory_space<vmem>>
      %dma_start3A_57 = tpu.memref_slice %arg2[%add3A_12] : memref<16384xi32, #tpu.memory_space<hbm>> -> memref<128xi32, #tpu.memory_space<hbm>>
      tpu.enqueue_dma source(%dma_start3A_57 : memref<128xi32, #tpu.memory_space<hbm>>) target(%dma_start3A_56 : memref<128xi32, #tpu.memory_space<vmem>>) target_semaphore(%run_scoped3A_50 : memref<!tpu.dma_semaphore, #tpu.memory_space<semaphore_mem>>)
      %dma_wait3A_58 = arith.constant 0 : i32
      %dma_wait3A_59 = tpu.memref_slice %arg7[%run_scoped3A_13, %dma_wait3A_58] : memref<4x128xi32, #tpu.memory_space<vmem>> -> memref<1x128xi32, #tpu.memory_space<vmem>>
      %dma_wait3A_60 = tpu.memref_squeeze %dma_wait3A_59 : memref<1x128xi32, #tpu.memory_space<vmem>> -> memref<128xi32, #tpu.memory_space<vmem>>
      %dma_wait3A_61 = tpu.memref_slice %arg2[%add3A_12] : memref<16384xi32, #tpu.memory_space<hbm>> -> memref<128xi32, #tpu.memory_space<hbm>>
      %dma_wait3A_62 = arith.constant 0 : i32
      %dma_wait3A_63 = tpu.memref_slice %arg7[%run_scoped3A_13, %dma_wait3A_62] : memref<4x128xi32, #tpu.memory_space<vmem>> -> memref<1x128xi32, #tpu.memory_space<vmem>>
      %dma_wait3A_64 = tpu.memref_squeeze %dma_wait3A_63 : memref<1x128xi32, #tpu.memory_space<vmem>> -> memref<128xi32, #tpu.memory_space<vmem>>
      %dma_wait3A_65 = tpu.memref_slice %arg2[%add3A_12] : memref<16384xi32, #tpu.memory_space<hbm>> -> memref<128xi32, #tpu.memory_space<hbm>>
      tpu.wait_dma2 semaphore(%run_scoped3A_50 : memref<!tpu.dma_semaphore, #tpu.memory_space<semaphore_mem>>) src(%dma_wait3A_65 : memref<128xi32, #tpu.memory_space<hbm>>) dst(%dma_wait3A_64 : memref<128xi32, #tpu.memory_space<vmem>>)
      tpu.yield
    }) : () -> ()
    %scan3A = arith.constant 0 : i32
    %scan3A_14 = arith.constant 0 : i32
    %scan3A_15 = arith.constant 32 : i32
    %scan3A_16 = arith.addi %scan3A_14, %scan3A_15 : i32
    %scan3A_17 = arith.constant 1 : i32
    scf.for %scan3A_50 = %scan3A_14 to %scan3A_16 step %scan3A_17  : i32 {
      %shift_right_arithmetic3A = arith.constant 3 : i32
      %shift_right_arithmetic3A_51 = arith.shrsi %scan3A_50, %shift_right_arithmetic3A : i32
      %and3A = arith.constant 7 : i32
      %and3A_52 = arith.andi %scan3A_50, %and3A : i32
      %mul3A_53 = arith.constant 16 : i32
      %mul3A_54 = arith.muli %and3A_52, %mul3A_53 : i32
      %get3A_55 = arith.index_cast %shift_right_arithmetic3A_51 : i32 to index
      %get3A_56 = arith.index_cast %mul3A_54 : i32 to index
      %get3A_57 = tpu.vector_load %arg7[%get3A_55, %get3A_56] {strides = array<i32>} : memref<4x128xi32, #tpu.memory_space<vmem>>, vector<16xi32>,
      %mul3A_58 = arith.constant 16 : i32
      %mul3A_59 = arith.muli %scan3A_50, %mul3A_58 : i32
      %dma_start3A = arith.constant 0 : i32
      %dma_start3A_60 = tpu.memref_slice %arg8[%mul3A_59, %dma_start3A] : memref<512x128xf32, #tpu.memory_space<vmem>> -> memref<16x128xf32, #tpu.memory_space<vmem>>
      %dma_start3A_61 = arith.constant 0 : i32
      %dma_start3A_62 = arith.constant 0 : i32
      %dma_start3A_63 = tpu.memref_slice %arg3[%dma_start3A_61, %dma_start3A_62] : memref<1000000x128xf32, #tpu.memory_space<hbm>> -> memref<1000000x128xf32, #tpu.memory_space<hbm>>
      tpu.enqueue_indirect_dma source(%dma_start3A_63 : memref<1000000x128xf32, #tpu.memory_space<hbm>>) target(%dma_start3A_60 : memref<16x128xf32, #tpu.memory_space<vmem>>) offsets(%get3A_57 : vector<16xi32>) semaphore(%arg12 : memref<!tpu.dma_semaphore, #tpu.memory_space<semaphore_mem>>)
    }
    %scan3A_18 = arith.constant 32 : i32
    %get3A = arith.constant 0 : index
    %get3A_19 = tpu.vector_load %arg10[%get3A] {strides = array<i32>} : memref<64xf32, #tpu.memory_space<vmem>>, vector<16xf32>,
    %get3A_20 = arith.constant 16 : index
    %get3A_21 = tpu.vector_load %arg10[%get3A_20] {strides = array<i32>} : memref<64xf32, #tpu.memory_space<vmem>>, vector<16xf32>,
    %get3A_22 = arith.constant 32 : index
    %get3A_23 = tpu.vector_load %arg10[%get3A_22] {strides = array<i32>} : memref<64xf32, #tpu.memory_space<vmem>>, vector<16xf32>,
    %get3A_24 = arith.constant 48 : index
    %get3A_25 = tpu.vector_load %arg10[%get3A_24] {strides = array<i32>} : memref<64xf32, #tpu.memory_space<vmem>>, vector<16xf32>,
    %get3A_26 = arith.constant 0 : index
    %get3A_27 = tpu.vector_load %arg11[%get3A_26] {strides = array<i32>} : memref<64xf32, #tpu.memory_space<vmem>>, vector<16xf32>,
    %get3A_28 = arith.constant 16 : index
    %get3A_29 = tpu.vector_load %arg11[%get3A_28] {strides = array<i32>} : memref<64xf32, #tpu.memory_space<vmem>>, vector<16xf32>,
    %get3A_30 = arith.constant 32 : index
    %get3A_31 = tpu.vector_load %arg11[%get3A_30] {strides = array<i32>} : memref<64xf32, #tpu.memory_space<vmem>>, vector<16xf32>,
    %get3A_32 = arith.constant 48 : index
    %get3A_33 = tpu.vector_load %arg11[%get3A_32] {strides = array<i32>} : memref<64xf32, #tpu.memory_space<vmem>>, vector<16xf32>,
    %broadcast_in_dim3A = arith.constant 1.562500e-02 : f32
    %broadcast_in_dim3A_34 = vector.broadcast %broadcast_in_dim3A : f32 to vector<16xf32>
    %broadcast_in_dim3A_35 = arith.constant 9.99999974E-6 : f32
    %broadcast_in_dim3A_36 = vector.broadcast %broadcast_in_dim3A_35 : f32 to vector<16xf32>
    %dma_wait3A = arith.constant 0 : i32
    %dma_wait3A_37 = arith.constant 0 : i32
    %dma_wait3A_38 = tpu.memref_slice %arg3[%dma_wait3A, %dma_wait3A_37] : memref<1000000x128xf32, #tpu.memory_space<hbm>> -> memref<512x128xf32, #tpu.memory_space<hbm>>
    %dma_wait3A_39 = arith.constant 0 : i32
    %dma_wait3A_40 = arith.constant 0 : i32
    %dma_wait3A_41 = tpu.memref_slice %arg3[%dma_wait3A_39, %dma_wait3A_40] : memref<1000000x128xf32, #tpu.memory_space<hbm>> -> memref<512x128xf32, #tpu.memory_space<hbm>>
    tpu.wait_dma2 semaphore(%arg12 : memref<!tpu.dma_semaphore, #tpu.memory_space<semaphore_mem>>) src(%dma_wait3A_41 : memref<512x128xf32, #tpu.memory_space<hbm>>) dst(%arg8 : memref<512x128xf32, #tpu.memory_space<vmem>>)
    %scan3A_42 = arith.constant 0 : i32
    %scan3A_43 = arith.constant 0 : i32
    %scan3A_44 = arith.constant 512 : i32
    %scan3A_45 = arith.addi %scan3A_43, %scan3A_44 : i32
    %scan3A_46 = arith.constant 4 : i32
    scf.for %scan3A_50 = %scan3A_43 to %scan3A_45 step %scan3A_46  : i32 {
      %get3A_51 = arith.index_cast %scan3A_50 : i32 to index
      %get3A_52 = arith.constant 0 : index
      %get3A_53 = tpu.vector_load %arg8[%get3A_51, %get3A_52] {strides = array<i32>} : memref<512x128xf32, #tpu.memory_space<vmem>>, vector<16xf32>,
      %get3A_54 = arith.index_cast %scan3A_50 : i32 to index
      %get3A_55 = arith.constant 16 : index
      %get3A_56 = tpu.vector_load %arg8[%get3A_54, %get3A_55] {strides = array<i32>} : memref<512x128xf32, #tpu.memory_space<vmem>>, vector<16xf32>,
      %get3A_57 = arith.index_cast %scan3A_50 : i32 to index
      %get3A_58 = arith.constant 32 : index
      %get3A_59 = tpu.vector_load %arg8[%get3A_57, %get3A_58] {strides = array<i32>} : memref<512x128xf32, #tpu.memory_space<vmem>>, vector<16xf32>,
      %get3A_60 = arith.index_cast %scan3A_50 : i32 to index
      %get3A_61 = arith.constant 48 : index
      %get3A_62 = tpu.vector_load %arg8[%get3A_60, %get3A_61] {strides = array<i32>} : memref<512x128xf32, #tpu.memory_space<vmem>>, vector<16xf32>,
      %add3A_63 = arith.addf %get3A_53, %get3A_56 : vector<16xf32>
      %add3A_64 = arith.addf %add3A_63, %get3A_59 : vector<16xf32>
      %add3A_65 = arith.addf %add3A_64, %get3A_62 : vector<16xf32>
      %broadcast_in_dim3A_66 = arith.constant true
      %broadcast_in_dim3A_67 = vector.broadcast %broadcast_in_dim3A_66 : i1 to vector<16xi1>
      %masked_cumsum3A = tpu.scan <sum>, %add3A_65 masked %broadcast_in_dim3A_67 : vector<16xf32>, vector<16xi1> -> vector<16xf32>
      %rev3A = arith.constant 15 : i32
      %rev3A_68 = vector.broadcast %rev3A : i32 to vector<16xi32>
      %rev3A_69 = tpu.iota {dimensions = array<i32: 0>} : vector<16xi32>
      %rev3A_70 = arith.subi %rev3A_68, %rev3A_69 : vector<16xi32>
      %rev3A_71 = tpu.dynamic_gather %add3A_65[%rev3A_70] in [0] : vector<16xf32>, vector<16xi32> -> vector<16xf32>
      %broadcast_in_dim3A_72 = arith.constant true
      %broadcast_in_dim3A_73 = vector.broadcast %broadcast_in_dim3A_72 : i1 to vector<16xi1>
      %masked_cumsum3A_74 = tpu.scan <sum>, %rev3A_71 masked %broadcast_in_dim3A_73 : vector<16xf32>, vector<16xi1> -> vector<16xf32>
      %rev3A_75 = arith.constant 15 : i32
      %rev3A_76 = vector.broadcast %rev3A_75 : i32 to vector<16xi32>
      %rev3A_77 = tpu.iota {dimensions = array<i32: 0>} : vector<16xi32>
      %rev3A_78 = arith.subi %rev3A_76, %rev3A_77 : vector<16xi32>
      %rev3A_79 = tpu.dynamic_gather %masked_cumsum3A_74[%rev3A_78] in [0] : vector<16xf32>, vector<16xi32> -> vector<16xf32>
      %add3A_80 = arith.addf %masked_cumsum3A, %rev3A_79 : vector<16xf32>
      %sub3A = arith.subf %add3A_80, %add3A_65 : vector<16xf32>
      %mul3A_81 = arith.mulf %sub3A, %broadcast_in_dim3A_34 : vector<16xf32>
      %sub3A_82 = arith.subf %get3A_53, %mul3A_81 : vector<16xf32>
      %sub3A_83 = arith.subf %get3A_56, %mul3A_81 : vector<16xf32>
      %sub3A_84 = arith.subf %get3A_59, %mul3A_81 : vector<16xf32>
      %sub3A_85 = arith.subf %get3A_62, %mul3A_81 : vector<16xf32>
      %mul3A_86 = arith.mulf %sub3A_82, %sub3A_82 : vector<16xf32>
      %mul3A_87 = arith.mulf %sub3A_83, %sub3A_83 : vector<16xf32>
      %add3A_88 = arith.addf %mul3A_86, %mul3A_87 : vector<16xf32>
      %mul3A_89 = arith.mulf %sub3A_84, %sub3A_84 : vector<16xf32>
      %add3A_90 = arith.addf %add3A_88, %mul3A_89 : vector<16xf32>
      %mul3A_91 = arith.mulf %sub3A_85, %sub3A_85 : vector<16xf32>
      %add3A_92 = arith.addf %add3A_90, %mul3A_91 : vector<16xf32>
      %broadcast_in_dim3A_93 = arith.constant true
      %broadcast_in_dim3A_94 = vector.broadcast %broadcast_in_dim3A_93 : i1 to vector<16xi1>
      %masked_cumsum3A_95 = tpu.scan <sum>, %add3A_92 masked %broadcast_in_dim3A_94 : vector<16xf32>, vector<16xi1> -> vector<16xf32>
      %rev3A_96 = arith.constant 15 : i32
      %rev3A_97 = vector.broadcast %rev3A_96 : i32 to vector<16xi32>
      %rev3A_98 = tpu.iota {dimensions = array<i32: 0>} : vector<16xi32>
      %rev3A_99 = arith.subi %rev3A_97, %rev3A_98 : vector<16xi32>
      %rev3A_100 = tpu.dynamic_gather %add3A_92[%rev3A_99] in [0] : vector<16xf32>, vector<16xi32> -> vector<16xf32>
      %broadcast_in_dim3A_101 = arith.constant true
      %broadcast_in_dim3A_102 = vector.broadcast %broadcast_in_dim3A_101 : i1 to vector<16xi1>
      %masked_cumsum3A_103 = tpu.scan <sum>, %rev3A_100 masked %broadcast_in_dim3A_102 : vector<16xf32>, vector<16xi1> -> vector<16xf32>
      %rev3A_104 = arith.constant 15 : i32
      %rev3A_105 = vector.broadcast %rev3A_104 : i32 to vector<16xi32>
      %rev3A_106 = tpu.iota {dimensions = array<i32: 0>} : vector<16xi32>
      %rev3A_107 = arith.subi %rev3A_105, %rev3A_106 : vector<16xi32>
      %rev3A_108 = tpu.dynamic_gather %masked_cumsum3A_103[%rev3A_107] in [0] : vector<16xf32>, vector<16xi32> -> vector<16xf32>
      %add3A_109 = arith.addf %masked_cumsum3A_95, %rev3A_108 : vector<16xf32>
      %sub3A_110 = arith.subf %add3A_109, %add3A_92 : vector<16xf32>
      %mul3A_111 = arith.mulf %sub3A_110, %broadcast_in_dim3A_34 : vector<16xf32>
      %add3A_112 = arith.addf %mul3A_111, %broadcast_in_dim3A_36 : vector<16xf32>
      %bitcast3A = vector.bitcast %add3A_112 : vector<16xf32> to vector<16xi32>
      %shift_right_arithmetic3A = arith.constant 1 : i32
      %shift_right_arithmetic3A_113 = vector.broadcast %shift_right_arithmetic3A : i32 to vector<16xi32>
      %shift_right_arithmetic3A_114 = arith.shrsi %bitcast3A, %shift_right_arithmetic3A_113 : vector<16xi32>
      %sub3A_115 = arith.constant 1597463007 : i32
      %sub3A_116 = vector.broadcast %sub3A_115 : i32 to vector<16xi32>
      %sub3A_117 = arith.subi %sub3A_116, %shift_right_arithmetic3A_114 : vector<16xi32>
      %bitcast3A_118 = vector.bitcast %sub3A_117 : vector<16xi32> to vector<16xf32>
      %mul3A_119 = arith.constant 5.000000e-01 : f32
      %mul3A_120 = vector.broadcast %mul3A_119 : f32 to vector<16xf32>
      %mul3A_121 = arith.mulf %add3A_112, %mul3A_120 : vector<16xf32>
      %mul3A_122 = arith.mulf %mul3A_121, %bitcast3A_118 : vector<16xf32>
      %mul3A_123 = arith.mulf %mul3A_122, %bitcast3A_118 : vector<16xf32>
      %sub3A_124 = arith.constant 1.500000e+00 : f32
      %sub3A_125 = vector.broadcast %sub3A_124 : f32 to vector<16xf32>
      %sub3A_126 = arith.subf %sub3A_125, %mul3A_123 : vector<16xf32>
      %mul3A_127 = arith.mulf %bitcast3A_118, %sub3A_126 : vector<16xf32>
      %mul3A_128 = arith.mulf %mul3A_121, %mul3A_127 : vector<16xf32>
      %mul3A_129 = arith.mulf %mul3A_128, %mul3A_127 : vector<16xf32>
      %sub3A_130 = arith.constant 1.500000e+00 : f32
      %sub3A_131 = vector.broadcast %sub3A_130 : f32 to vector<16xf32>
      %sub3A_132 = arith.subf %sub3A_131, %mul3A_129 : vector<16xf32>
      %mul3A_133 = arith.mulf %mul3A_127, %sub3A_132 : vector<16xf32>
      %mul3A_134 = arith.mulf %mul3A_121, %mul3A_133 : vector<16xf32>
      %mul3A_135 = arith.mulf %mul3A_134, %mul3A_133 : vector<16xf32>
      %sub3A_136 = arith.constant 1.500000e+00 : f32
      %sub3A_137 = vector.broadcast %sub3A_136 : f32 to vector<16xf32>
      %sub3A_138 = arith.subf %sub3A_137, %mul3A_135 : vector<16xf32>
      %mul3A_139 = arith.mulf %mul3A_133, %sub3A_138 : vector<16xf32>
      %mul3A_140 = arith.constant 64 : i32
      %mul3A_141 = arith.muli %scan3A_50, %mul3A_140 : i32
      %mul3A_142 = arith.mulf %sub3A_82, %mul3A_139 : vector<16xf32>
      %mul3A_143 = arith.mulf %mul3A_142, %get3A_19 : vector<16xf32>
      %add3A_144 = arith.addf %mul3A_143, %get3A_27 : vector<16xf32>
      %add3A_145 = arith.constant 0 : i32
      %add3A_146 = arith.addi %mul3A_141, %add3A_145 : i32
      %swap3A = arith.index_cast %add3A_146 : i32 to index
      %swap3A_147 = tpu.vector_load %arg9[%swap3A] {strides = array<i32>} : memref<32768xf32, #tpu.memory_space<vmem>>, vector<16xf32>,
      tpu.vector_store %arg9[%swap3A], %add3A_144 {strides = array<i32>} : memref<32768xf32, #tpu.memory_space<vmem>>, vector<16xf32>,
      %mul3A_148 = arith.mulf %sub3A_83, %mul3A_139 : vector<16xf32>
      %mul3A_149 = arith.mulf %mul3A_148, %get3A_21 : vector<16xf32>
      %add3A_150 = arith.addf %mul3A_149, %get3A_29 : vector<16xf32>
      %add3A_151 = arith.constant 16 : i32
      %add3A_152 = arith.addi %mul3A_141, %add3A_151 : i32
      %swap3A_153 = arith.index_cast %add3A_152 : i32 to index
      %swap3A_154 = tpu.vector_load %arg9[%swap3A_153] {strides = array<i32>} : memref<32768xf32, #tpu.memory_space<vmem>>, vector<16xf32>,
      tpu.vector_store %arg9[%swap3A_153], %add3A_150 {strides = array<i32>} : memref<32768xf32, #tpu.memory_space<vmem>>, vector<16xf32>,
      %mul3A_155 = arith.mulf %sub3A_84, %mul3A_139 : vector<16xf32>
      %mul3A_156 = arith.mulf %mul3A_155, %get3A_23 : vector<16xf32>
      %add3A_157 = arith.addf %mul3A_156, %get3A_31 : vector<16xf32>
      %add3A_158 = arith.constant 32 : i32
      %add3A_159 = arith.addi %mul3A_141, %add3A_158 : i32
      %swap3A_160 = arith.index_cast %add3A_159 : i32 to index
      %swap3A_161 = tpu.vector_load %arg9[%swap3A_160] {strides = array<i32>} : memref<32768xf32, #tpu.memory_space<vmem>>, vector<16xf32>,
      tpu.vector_store %arg9[%swap3A_160], %add3A_157 {strides = array<i32>} : memref<32768xf32, #tpu.memory_space<vmem>>, vector<16xf32>,
      %mul3A_162 = arith.mulf %sub3A_85, %mul3A_139 : vector<16xf32>
      %mul3A_163 = arith.mulf %mul3A_162, %get3A_25 : vector<16xf32>
      %add3A_164 = arith.addf %mul3A_163, %get3A_33 : vector<16xf32>
      %add3A_165 = arith.constant 48 : i32
      %add3A_166 = arith.addi %mul3A_141, %add3A_165 : i32
      %swap3A_167 = arith.index_cast %add3A_166 : i32 to index
      %swap3A_168 = tpu.vector_load %arg9[%swap3A_167] {strides = array<i32>} : memref<32768xf32, #tpu.memory_space<vmem>>, vector<16xf32>,
      tpu.vector_store %arg9[%swap3A_167], %add3A_164 {strides = array<i32>} : memref<32768xf32, #tpu.memory_space<vmem>>, vector<16xf32>,
      %scan3A_169 = arith.constant 1 : i32
      %scan3A_170 = arith.addi %scan3A_50, %scan3A_169 : i32
      %get3A_171 = arith.index_cast %scan3A_170 : i32 to index
      %get3A_172 = arith.constant 0 : index
      %get3A_173 = tpu.vector_load %arg8[%get3A_171, %get3A_172] {strides = array<i32>} : memref<512x128xf32, #tpu.memory_space<vmem>>, vector<16xf32>,
      %get3A_174 = arith.index_cast %scan3A_170 : i32 to index
      %get3A_175 = arith.constant 16 : index
      %get3A_176 = tpu.vector_load %arg8[%get3A_174, %get3A_175] {strides = array<i32>} : memref<512x128xf32, #tpu.memory_space<vmem>>, vector<16xf32>,
      %get3A_177 = arith.index_cast %scan3A_170 : i32 to index
      %get3A_178 = arith.constant 32 : index
      %get3A_179 = tpu.vector_load %arg8[%get3A_177, %get3A_178] {strides = array<i32>} : memref<512x128xf32, #tpu.memory_space<vmem>>, vector<16xf32>,
      %get3A_180 = arith.index_cast %scan3A_170 : i32 to index
      %get3A_181 = arith.constant 48 : index
      %get3A_182 = tpu.vector_load %arg8[%get3A_180, %get3A_181] {strides = array<i32>} : memref<512x128xf32, #tpu.memory_space<vmem>>, vector<16xf32>,
      %add3A_183 = arith.addf %get3A_173, %get3A_176 : vector<16xf32>
      %add3A_184 = arith.addf %add3A_183, %get3A_179 : vector<16xf32>
      %add3A_185 = arith.addf %add3A_184, %get3A_182 : vector<16xf32>
      %broadcast_in_dim3A_186 = arith.constant true
      %broadcast_in_dim3A_187 = vector.broadcast %broadcast_in_dim3A_186 : i1 to vector<16xi1>
      %masked_cumsum3A_188 = tpu.scan <sum>, %add3A_185 masked %broadcast_in_dim3A_187 : vector<16xf32>, vector<16xi1> -> vector<16xf32>
      %rev3A_189 = arith.constant 15 : i32
      %rev3A_190 = vector.broadcast %rev3A_189 : i32 to vector<16xi32>
      %rev3A_191 = tpu.iota {dimensions = array<i32: 0>} : vector<16xi32>
      %rev3A_192 = arith.subi %rev3A_190, %rev3A_191 : vector<16xi32>
      %rev3A_193 = tpu.dynamic_gather %add3A_185[%rev3A_192] in [0] : vector<16xf32>, vector<16xi32> -> vector<16xf32>
      %broadcast_in_dim3A_194 = arith.constant true
      %broadcast_in_dim3A_195 = vector.broadcast %broadcast_in_dim3A_194 : i1 to vector<16xi1>
      %masked_cumsum3A_196 = tpu.scan <sum>, %rev3A_193 masked %broadcast_in_dim3A_195 : vector<16xf32>, vector<16xi1> -> vector<16xf32>
      %rev3A_197 = arith.constant 15 : i32
      %rev3A_198 = vector.broadcast %rev3A_197 : i32 to vector<16xi32>
      %rev3A_199 = tpu.iota {dimensions = array<i32: 0>} : vector<16xi32>
      %rev3A_200 = arith.subi %rev3A_198, %rev3A_199 : vector<16xi32>
      %rev3A_201 = tpu.dynamic_gather %masked_cumsum3A_196[%rev3A_200] in [0] : vector<16xf32>, vector<16xi32> -> vector<16xf32>
      %add3A_202 = arith.addf %masked_cumsum3A_188, %rev3A_201 : vector<16xf32>
      %sub3A_203 = arith.subf %add3A_202, %add3A_185 : vector<16xf32>
      %mul3A_204 = arith.mulf %sub3A_203, %broadcast_in_dim3A_34 : vector<16xf32>
      %sub3A_205 = arith.subf %get3A_173, %mul3A_204 : vector<16xf32>
      %sub3A_206 = arith.subf %get3A_176, %mul3A_204 : vector<16xf32>
      %sub3A_207 = arith.subf %get3A_179, %mul3A_204 : vector<16xf32>
      %sub3A_208 = arith.subf %get3A_182, %mul3A_204 : vector<16xf32>
      %mul3A_209 = arith.mulf %sub3A_205, %sub3A_205 : vector<16xf32>
      %mul3A_210 = arith.mulf %sub3A_206, %sub3A_206 : vector<16xf32>
      %add3A_211 = arith.addf %mul3A_209, %mul3A_210 : vector<16xf32>
      %mul3A_212 = arith.mulf %sub3A_207, %sub3A_207 : vector<16xf32>
      %add3A_213 = arith.addf %add3A_211, %mul3A_212 : vector<16xf32>
      %mul3A_214 = arith.mulf %sub3A_208, %sub3A_208 : vector<16xf32>
      %add3A_215 = arith.addf %add3A_213, %mul3A_214 : vector<16xf32>
      %broadcast_in_dim3A_216 = arith.constant true
      %broadcast_in_dim3A_217 = vector.broadcast %broadcast_in_dim3A_216 : i1 to vector<16xi1>
      %masked_cumsum3A_218 = tpu.scan <sum>, %add3A_215 masked %broadcast_in_dim3A_217 : vector<16xf32>, vector<16xi1> -> vector<16xf32>
      %rev3A_219 = arith.constant 15 : i32
      %rev3A_220 = vector.broadcast %rev3A_219 : i32 to vector<16xi32>
      %rev3A_221 = tpu.iota {dimensions = array<i32: 0>} : vector<16xi32>
      %rev3A_222 = arith.subi %rev3A_220, %rev3A_221 : vector<16xi32>
      %rev3A_223 = tpu.dynamic_gather %add3A_215[%rev3A_222] in [0] : vector<16xf32>, vector<16xi32> -> vector<16xf32>
      %broadcast_in_dim3A_224 = arith.constant true
      %broadcast_in_dim3A_225 = vector.broadcast %broadcast_in_dim3A_224 : i1 to vector<16xi1>
      %masked_cumsum3A_226 = tpu.scan <sum>, %rev3A_223 masked %broadcast_in_dim3A_225 : vector<16xf32>, vector<16xi1> -> vector<16xf32>
      %rev3A_227 = arith.constant 15 : i32
      %rev3A_228 = vector.broadcast %rev3A_227 : i32 to vector<16xi32>
      %rev3A_229 = tpu.iota {dimensions = array<i32: 0>} : vector<16xi32>
      %rev3A_230 = arith.subi %rev3A_228, %rev3A_229 : vector<16xi32>
      %rev3A_231 = tpu.dynamic_gather %masked_cumsum3A_226[%rev3A_230] in [0] : vector<16xf32>, vector<16xi32> -> vector<16xf32>
      %add3A_232 = arith.addf %masked_cumsum3A_218, %rev3A_231 : vector<16xf32>
      %sub3A_233 = arith.subf %add3A_232, %add3A_215 : vector<16xf32>
      %mul3A_234 = arith.mulf %sub3A_233, %broadcast_in_dim3A_34 : vector<16xf32>
      %add3A_235 = arith.addf %mul3A_234, %broadcast_in_dim3A_36 : vector<16xf32>
      %bitcast3A_236 = vector.bitcast %add3A_235 : vector<16xf32> to vector<16xi32>
      %shift_right_arithmetic3A_237 = arith.constant 1 : i32
      %shift_right_arithmetic3A_238 = vector.broadcast %shift_right_arithmetic3A_237 : i32 to vector<16xi32>
      %shift_right_arithmetic3A_239 = arith.shrsi %bitcast3A_236, %shift_right_arithmetic3A_238 : vector<16xi32>
      %sub3A_240 = arith.constant 1597463007 : i32
      %sub3A_241 = vector.broadcast %sub3A_240 : i32 to vector<16xi32>
      %sub3A_242 = arith.subi %sub3A_241, %shift_right_arithmetic3A_239 : vector<16xi32>
      %bitcast3A_243 = vector.bitcast %sub3A_242 : vector<16xi32> to vector<16xf32>
      %mul3A_244 = arith.constant 5.000000e-01 : f32
      %mul3A_245 = vector.broadcast %mul3A_244 : f32 to vector<16xf32>
      %mul3A_246 = arith.mulf %add3A_235, %mul3A_245 : vector<16xf32>
      %mul3A_247 = arith.mulf %mul3A_246, %bitcast3A_243 : vector<16xf32>
      %mul3A_248 = arith.mulf %mul3A_247, %bitcast3A_243 : vector<16xf32>
      %sub3A_249 = arith.constant 1.500000e+00 : f32
      %sub3A_250 = vector.broadcast %sub3A_249 : f32 to vector<16xf32>
      %sub3A_251 = arith.subf %sub3A_250, %mul3A_248 : vector<16xf32>
      %mul3A_252 = arith.mulf %bitcast3A_243, %sub3A_251 : vector<16xf32>
      %mul3A_253 = arith.mulf %mul3A_246, %mul3A_252 : vector<16xf32>
      %mul3A_254 = arith.mulf %mul3A_253, %mul3A_252 : vector<16xf32>
      %sub3A_255 = arith.constant 1.500000e+00 : f32
      %sub3A_256 = vector.broadcast %sub3A_255 : f32 to vector<16xf32>
      %sub3A_257 = arith.subf %sub3A_256, %mul3A_254 : vector<16xf32>
      %mul3A_258 = arith.mulf %mul3A_252, %sub3A_257 : vector<16xf32>
      %mul3A_259 = arith.mulf %mul3A_246, %mul3A_258 : vector<16xf32>
      %mul3A_260 = arith.mulf %mul3A_259, %mul3A_258 : vector<16xf32>
      %sub3A_261 = arith.constant 1.500000e+00 : f32
      %sub3A_262 = vector.broadcast %sub3A_261 : f32 to vector<16xf32>
      %sub3A_263 = arith.subf %sub3A_262, %mul3A_260 : vector<16xf32>
      %mul3A_264 = arith.mulf %mul3A_258, %sub3A_263 : vector<16xf32>
      %mul3A_265 = arith.constant 64 : i32
      %mul3A_266 = arith.muli %scan3A_170, %mul3A_265 : i32
      %mul3A_267 = arith.mulf %sub3A_205, %mul3A_264 : vector<16xf32>
      %mul3A_268 = arith.mulf %mul3A_267, %get3A_19 : vector<16xf32>
      %add3A_269 = arith.addf %mul3A_268, %get3A_27 : vector<16xf32>
      %add3A_270 = arith.constant 0 : i32
      %add3A_271 = arith.addi %mul3A_266, %add3A_270 : i32
      %swap3A_272 = arith.index_cast %add3A_271 : i32 to index
      %swap3A_273 = tpu.vector_load %arg9[%swap3A_272] {strides = array<i32>} : memref<32768xf32, #tpu.memory_space<vmem>>, vector<16xf32>,
      tpu.vector_store %arg9[%swap3A_272], %add3A_269 {strides = array<i32>} : memref<32768xf32, #tpu.memory_space<vmem>>, vector<16xf32>,
      %mul3A_274 = arith.mulf %sub3A_206, %mul3A_264 : vector<16xf32>
      %mul3A_275 = arith.mulf %mul3A_274, %get3A_21 : vector<16xf32>
      %add3A_276 = arith.addf %mul3A_275, %get3A_29 : vector<16xf32>
      %add3A_277 = arith.constant 16 : i32
      %add3A_278 = arith.addi %mul3A_266, %add3A_277 : i32
      %swap3A_279 = arith.index_cast %add3A_278 : i32 to index
      %swap3A_280 = tpu.vector_load %arg9[%swap3A_279] {strides = array<i32>} : memref<32768xf32, #tpu.memory_space<vmem>>, vector<16xf32>,
      tpu.vector_store %arg9[%swap3A_279], %add3A_276 {strides = array<i32>} : memref<32768xf32, #tpu.memory_space<vmem>>, vector<16xf32>,
      %mul3A_281 = arith.mulf %sub3A_207, %mul3A_264 : vector<16xf32>
      %mul3A_282 = arith.mulf %mul3A_281, %get3A_23 : vector<16xf32>
      %add3A_283 = arith.addf %mul3A_282, %get3A_31 : vector<16xf32>
      %add3A_284 = arith.constant 32 : i32
      %add3A_285 = arith.addi %mul3A_266, %add3A_284 : i32
      %swap3A_286 = arith.index_cast %add3A_285 : i32 to index
      %swap3A_287 = tpu.vector_load %arg9[%swap3A_286] {strides = array<i32>} : memref<32768xf32, #tpu.memory_space<vmem>>, vector<16xf32>,
      tpu.vector_store %arg9[%swap3A_286], %add3A_283 {strides = array<i32>} : memref<32768xf32, #tpu.memory_space<vmem>>, vector<16xf32>,
      %mul3A_288 = arith.mulf %sub3A_208, %mul3A_264 : vector<16xf32>
      %mul3A_289 = arith.mulf %mul3A_288, %get3A_25 : vector<16xf32>
      %add3A_290 = arith.addf %mul3A_289, %get3A_33 : vector<16xf32>
      %add3A_291 = arith.constant 48 : i32
      %add3A_292 = arith.addi %mul3A_266, %add3A_291 : i32
      %swap3A_293 = arith.index_cast %add3A_292 : i32 to index
      %swap3A_294 = tpu.vector_load %arg9[%swap3A_293] {strides = array<i32>} : memref<32768xf32, #tpu.memory_space<vmem>>, vector<16xf32>,
      tpu.vector_store %arg9[%swap3A_293], %add3A_290 {strides = array<i32>} : memref<32768xf32, #tpu.memory_space<vmem>>, vector<16xf32>,
      %scan3A_295 = arith.constant 2 : i32
      %scan3A_296 = arith.addi %scan3A_50, %scan3A_295 : i32
      %get3A_297 = arith.index_cast %scan3A_296 : i32 to index
      %get3A_298 = arith.constant 0 : index
      %get3A_299 = tpu.vector_load %arg8[%get3A_297, %get3A_298] {strides = array<i32>} : memref<512x128xf32, #tpu.memory_space<vmem>>, vector<16xf32>,
      %get3A_300 = arith.index_cast %scan3A_296 : i32 to index
      %get3A_301 = arith.constant 16 : index
      %get3A_302 = tpu.vector_load %arg8[%get3A_300, %get3A_301] {strides = array<i32>} : memref<512x128xf32, #tpu.memory_space<vmem>>, vector<16xf32>,
      %get3A_303 = arith.index_cast %scan3A_296 : i32 to index
      %get3A_304 = arith.constant 32 : index
      %get3A_305 = tpu.vector_load %arg8[%get3A_303, %get3A_304] {strides = array<i32>} : memref<512x128xf32, #tpu.memory_space<vmem>>, vector<16xf32>,
      %get3A_306 = arith.index_cast %scan3A_296 : i32 to index
      %get3A_307 = arith.constant 48 : index
      %get3A_308 = tpu.vector_load %arg8[%get3A_306, %get3A_307] {strides = array<i32>} : memref<512x128xf32, #tpu.memory_space<vmem>>, vector<16xf32>,
      %add3A_309 = arith.addf %get3A_299, %get3A_302 : vector<16xf32>
      %add3A_310 = arith.addf %add3A_309, %get3A_305 : vector<16xf32>
      %add3A_311 = arith.addf %add3A_310, %get3A_308 : vector<16xf32>
      %broadcast_in_dim3A_312 = arith.constant true
      %broadcast_in_dim3A_313 = vector.broadcast %broadcast_in_dim3A_312 : i1 to vector<16xi1>
      %masked_cumsum3A_314 = tpu.scan <sum>, %add3A_311 masked %broadcast_in_dim3A_313 : vector<16xf32>, vector<16xi1> -> vector<16xf32>
      %rev3A_315 = arith.constant 15 : i32
      %rev3A_316 = vector.broadcast %rev3A_315 : i32 to vector<16xi32>
      %rev3A_317 = tpu.iota {dimensions = array<i32: 0>} : vector<16xi32>
      %rev3A_318 = arith.subi %rev3A_316, %rev3A_317 : vector<16xi32>
      %rev3A_319 = tpu.dynamic_gather %add3A_311[%rev3A_318] in [0] : vector<16xf32>, vector<16xi32> -> vector<16xf32>
      %broadcast_in_dim3A_320 = arith.constant true
      %broadcast_in_dim3A_321 = vector.broadcast %broadcast_in_dim3A_320 : i1 to vector<16xi1>
      %masked_cumsum3A_322 = tpu.scan <sum>, %rev3A_319 masked %broadcast_in_dim3A_321 : vector<16xf32>, vector<16xi1> -> vector<16xf32>
      %rev3A_323 = arith.constant 15 : i32
      %rev3A_324 = vector.broadcast %rev3A_323 : i32 to vector<16xi32>
      %rev3A_325 = tpu.iota {dimensions = array<i32: 0>} : vector<16xi32>
      %rev3A_326 = arith.subi %rev3A_324, %rev3A_325 : vector<16xi32>
      %rev3A_327 = tpu.dynamic_gather %masked_cumsum3A_322[%rev3A_326] in [0] : vector<16xf32>, vector<16xi32> -> vector<16xf32>
      %add3A_328 = arith.addf %masked_cumsum3A_314, %rev3A_327 : vector<16xf32>
      %sub3A_329 = arith.subf %add3A_328, %add3A_311 : vector<16xf32>
      %mul3A_330 = arith.mulf %sub3A_329, %broadcast_in_dim3A_34 : vector<16xf32>
      %sub3A_331 = arith.subf %get3A_299, %mul3A_330 : vector<16xf32>
      %sub3A_332 = arith.subf %get3A_302, %mul3A_330 : vector<16xf32>
      %sub3A_333 = arith.subf %get3A_305, %mul3A_330 : vector<16xf32>
      %sub3A_334 = arith.subf %get3A_308, %mul3A_330 : vector<16xf32>
      %mul3A_335 = arith.mulf %sub3A_331, %sub3A_331 : vector<16xf32>
      %mul3A_336 = arith.mulf %sub3A_332, %sub3A_332 : vector<16xf32>
      %add3A_337 = arith.addf %mul3A_335, %mul3A_336 : vector<16xf32>
      %mul3A_338 = arith.mulf %sub3A_333, %sub3A_333 : vector<16xf32>
      %add3A_339 = arith.addf %add3A_337, %mul3A_338 : vector<16xf32>
      %mul3A_340 = arith.mulf %sub3A_334, %sub3A_334 : vector<16xf32>
      %add3A_341 = arith.addf %add3A_339, %mul3A_340 : vector<16xf32>
      %broadcast_in_dim3A_342 = arith.constant true
      %broadcast_in_dim3A_343 = vector.broadcast %broadcast_in_dim3A_342 : i1 to vector<16xi1>
      %masked_cumsum3A_344 = tpu.scan <sum>, %add3A_341 masked %broadcast_in_dim3A_343 : vector<16xf32>, vector<16xi1> -> vector<16xf32>
      %rev3A_345 = arith.constant 15 : i32
      %rev3A_346 = vector.broadcast %rev3A_345 : i32 to vector<16xi32>
      %rev3A_347 = tpu.iota {dimensions = array<i32: 0>} : vector<16xi32>
      %rev3A_348 = arith.subi %rev3A_346, %rev3A_347 : vector<16xi32>
      %rev3A_349 = tpu.dynamic_gather %add3A_341[%rev3A_348] in [0] : vector<16xf32>, vector<16xi32> -> vector<16xf32>
      %broadcast_in_dim3A_350 = arith.constant true
      %broadcast_in_dim3A_351 = vector.broadcast %broadcast_in_dim3A_350 : i1 to vector<16xi1>
      %masked_cumsum3A_352 = tpu.scan <sum>, %rev3A_349 masked %broadcast_in_dim3A_351 : vector<16xf32>, vector<16xi1> -> vector<16xf32>
      %rev3A_353 = arith.constant 15 : i32
      %rev3A_354 = vector.broadcast %rev3A_353 : i32 to vector<16xi32>
      %rev3A_355 = tpu.iota {dimensions = array<i32: 0>} : vector<16xi32>
      %rev3A_356 = arith.subi %rev3A_354, %rev3A_355 : vector<16xi32>
      %rev3A_357 = tpu.dynamic_gather %masked_cumsum3A_352[%rev3A_356] in [0] : vector<16xf32>, vector<16xi32> -> vector<16xf32>
      %add3A_358 = arith.addf %masked_cumsum3A_344, %rev3A_357 : vector<16xf32>
      %sub3A_359 = arith.subf %add3A_358, %add3A_341 : vector<16xf32>
      %mul3A_360 = arith.mulf %sub3A_359, %broadcast_in_dim3A_34 : vector<16xf32>
      %add3A_361 = arith.addf %mul3A_360, %broadcast_in_dim3A_36 : vector<16xf32>
      %bitcast3A_362 = vector.bitcast %add3A_361 : vector<16xf32> to vector<16xi32>
      %shift_right_arithmetic3A_363 = arith.constant 1 : i32
      %shift_right_arithmetic3A_364 = vector.broadcast %shift_right_arithmetic3A_363 : i32 to vector<16xi32>
      %shift_right_arithmetic3A_365 = arith.shrsi %bitcast3A_362, %shift_right_arithmetic3A_364 : vector<16xi32>
      %sub3A_366 = arith.constant 1597463007 : i32
      %sub3A_367 = vector.broadcast %sub3A_366 : i32 to vector<16xi32>
      %sub3A_368 = arith.subi %sub3A_367, %shift_right_arithmetic3A_365 : vector<16xi32>
      %bitcast3A_369 = vector.bitcast %sub3A_368 : vector<16xi32> to vector<16xf32>
      %mul3A_370 = arith.constant 5.000000e-01 : f32
      %mul3A_371 = vector.broadcast %mul3A_370 : f32 to vector<16xf32>
      %mul3A_372 = arith.mulf %add3A_361, %mul3A_371 : vector<16xf32>
      %mul3A_373 = arith.mulf %mul3A_372, %bitcast3A_369 : vector<16xf32>
      %mul3A_374 = arith.mulf %mul3A_373, %bitcast3A_369 : vector<16xf32>
      %sub3A_375 = arith.constant 1.500000e+00 : f32
      %sub3A_376 = vector.broadcast %sub3A_375 : f32 to vector<16xf32>
      %sub3A_377 = arith.subf %sub3A_376, %mul3A_374 : vector<16xf32>
      %mul3A_378 = arith.mulf %bitcast3A_369, %sub3A_377 : vector<16xf32>
      %mul3A_379 = arith.mulf %mul3A_372, %mul3A_378 : vector<16xf32>
      %mul3A_380 = arith.mulf %mul3A_379, %mul3A_378 : vector<16xf32>
      %sub3A_381 = arith.constant 1.500000e+00 : f32
      %sub3A_382 = vector.broadcast %sub3A_381 : f32 to vector<16xf32>
      %sub3A_383 = arith.subf %sub3A_382, %mul3A_380 : vector<16xf32>
      %mul3A_384 = arith.mulf %mul3A_378, %sub3A_383 : vector<16xf32>
      %mul3A_385 = arith.mulf %mul3A_372, %mul3A_384 : vector<16xf32>
      %mul3A_386 = arith.mulf %mul3A_385, %mul3A_384 : vector<16xf32>
      %sub3A_387 = arith.constant 1.500000e+00 : f32
      %sub3A_388 = vector.broadcast %sub3A_387 : f32 to vector<16xf32>
      %sub3A_389 = arith.subf %sub3A_388, %mul3A_386 : vector<16xf32>
      %mul3A_390 = arith.mulf %mul3A_384, %sub3A_389 : vector<16xf32>
      %mul3A_391 = arith.constant 64 : i32
      %mul3A_392 = arith.muli %scan3A_296, %mul3A_391 : i32
      %mul3A_393 = arith.mulf %sub3A_331, %mul3A_390 : vector<16xf32>
      %mul3A_394 = arith.mulf %mul3A_393, %get3A_19 : vector<16xf32>
      %add3A_395 = arith.addf %mul3A_394, %get3A_27 : vector<16xf32>
      %add3A_396 = arith.constant 0 : i32
      %add3A_397 = arith.addi %mul3A_392, %add3A_396 : i32
      %swap3A_398 = arith.index_cast %add3A_397 : i32 to index
      %swap3A_399 = tpu.vector_load %arg9[%swap3A_398] {strides = array<i32>} : memref<32768xf32, #tpu.memory_space<vmem>>, vector<16xf32>,
      tpu.vector_store %arg9[%swap3A_398], %add3A_395 {strides = array<i32>} : memref<32768xf32, #tpu.memory_space<vmem>>, vector<16xf32>,
      %mul3A_400 = arith.mulf %sub3A_332, %mul3A_390 : vector<16xf32>
      %mul3A_401 = arith.mulf %mul3A_400, %get3A_21 : vector<16xf32>
      %add3A_402 = arith.addf %mul3A_401, %get3A_29 : vector<16xf32>
      %add3A_403 = arith.constant 16 : i32
      %add3A_404 = arith.addi %mul3A_392, %add3A_403 : i32
      %swap3A_405 = arith.index_cast %add3A_404 : i32 to index
      %swap3A_406 = tpu.vector_load %arg9[%swap3A_405] {strides = array<i32>} : memref<32768xf32, #tpu.memory_space<vmem>>, vector<16xf32>,
      tpu.vector_store %arg9[%swap3A_405], %add3A_402 {strides = array<i32>} : memref<32768xf32, #tpu.memory_space<vmem>>, vector<16xf32>,
      %mul3A_407 = arith.mulf %sub3A_333, %mul3A_390 : vector<16xf32>
      %mul3A_408 = arith.mulf %mul3A_407, %get3A_23 : vector<16xf32>
      %add3A_409 = arith.addf %mul3A_408, %get3A_31 : vector<16xf32>
      %add3A_410 = arith.constant 32 : i32
      %add3A_411 = arith.addi %mul3A_392, %add3A_410 : i32
      %swap3A_412 = arith.index_cast %add3A_411 : i32 to index
      %swap3A_413 = tpu.vector_load %arg9[%swap3A_412] {strides = array<i32>} : memref<32768xf32, #tpu.memory_space<vmem>>, vector<16xf32>,
      tpu.vector_store %arg9[%swap3A_412], %add3A_409 {strides = array<i32>} : memref<32768xf32, #tpu.memory_space<vmem>>, vector<16xf32>,
      %mul3A_414 = arith.mulf %sub3A_334, %mul3A_390 : vector<16xf32>
      %mul3A_415 = arith.mulf %mul3A_414, %get3A_25 : vector<16xf32>
      %add3A_416 = arith.addf %mul3A_415, %get3A_33 : vector<16xf32>
      %add3A_417 = arith.constant 48 : i32
      %add3A_418 = arith.addi %mul3A_392, %add3A_417 : i32
      %swap3A_419 = arith.index_cast %add3A_418 : i32 to index
      %swap3A_420 = tpu.vector_load %arg9[%swap3A_419] {strides = array<i32>} : memref<32768xf32, #tpu.memory_space<vmem>>, vector<16xf32>,
      tpu.vector_store %arg9[%swap3A_419], %add3A_416 {strides = array<i32>} : memref<32768xf32, #tpu.memory_space<vmem>>, vector<16xf32>,
      %scan3A_421 = arith.constant 3 : i32
      %scan3A_422 = arith.addi %scan3A_50, %scan3A_421 : i32
      %get3A_423 = arith.index_cast %scan3A_422 : i32 to index
      %get3A_424 = arith.constant 0 : index
      %get3A_425 = tpu.vector_load %arg8[%get3A_423, %get3A_424] {strides = array<i32>} : memref<512x128xf32, #tpu.memory_space<vmem>>, vector<16xf32>,
      %get3A_426 = arith.index_cast %scan3A_422 : i32 to index
      %get3A_427 = arith.constant 16 : index
      %get3A_428 = tpu.vector_load %arg8[%get3A_426, %get3A_427] {strides = array<i32>} : memref<512x128xf32, #tpu.memory_space<vmem>>, vector<16xf32>,
      %get3A_429 = arith.index_cast %scan3A_422 : i32 to index
      %get3A_430 = arith.constant 32 : index
      %get3A_431 = tpu.vector_load %arg8[%get3A_429, %get3A_430] {strides = array<i32>} : memref<512x128xf32, #tpu.memory_space<vmem>>, vector<16xf32>,
      %get3A_432 = arith.index_cast %scan3A_422 : i32 to index
      %get3A_433 = arith.constant 48 : index
      %get3A_434 = tpu.vector_load %arg8[%get3A_432, %get3A_433] {strides = array<i32>} : memref<512x128xf32, #tpu.memory_space<vmem>>, vector<16xf32>,
      %add3A_435 = arith.addf %get3A_425, %get3A_428 : vector<16xf32>
      %add3A_436 = arith.addf %add3A_435, %get3A_431 : vector<16xf32>
      %add3A_437 = arith.addf %add3A_436, %get3A_434 : vector<16xf32>
      %broadcast_in_dim3A_438 = arith.constant true
      %broadcast_in_dim3A_439 = vector.broadcast %broadcast_in_dim3A_438 : i1 to vector<16xi1>
      %masked_cumsum3A_440 = tpu.scan <sum>, %add3A_437 masked %broadcast_in_dim3A_439 : vector<16xf32>, vector<16xi1> -> vector<16xf32>
      %rev3A_441 = arith.constant 15 : i32
      %rev3A_442 = vector.broadcast %rev3A_441 : i32 to vector<16xi32>
      %rev3A_443 = tpu.iota {dimensions = array<i32: 0>} : vector<16xi32>
      %rev3A_444 = arith.subi %rev3A_442, %rev3A_443 : vector<16xi32>
      %rev3A_445 = tpu.dynamic_gather %add3A_437[%rev3A_444] in [0] : vector<16xf32>, vector<16xi32> -> vector<16xf32>
      %broadcast_in_dim3A_446 = arith.constant true
      %broadcast_in_dim3A_447 = vector.broadcast %broadcast_in_dim3A_446 : i1 to vector<16xi1>
      %masked_cumsum3A_448 = tpu.scan <sum>, %rev3A_445 masked %broadcast_in_dim3A_447 : vector<16xf32>, vector<16xi1> -> vector<16xf32>
      %rev3A_449 = arith.constant 15 : i32
      %rev3A_450 = vector.broadcast %rev3A_449 : i32 to vector<16xi32>
      %rev3A_451 = tpu.iota {dimensions = array<i32: 0>} : vector<16xi32>
      %rev3A_452 = arith.subi %rev3A_450, %rev3A_451 : vector<16xi32>
      %rev3A_453 = tpu.dynamic_gather %masked_cumsum3A_448[%rev3A_452] in [0] : vector<16xf32>, vector<16xi32> -> vector<16xf32>
      %add3A_454 = arith.addf %masked_cumsum3A_440, %rev3A_453 : vector<16xf32>
      %sub3A_455 = arith.subf %add3A_454, %add3A_437 : vector<16xf32>
      %mul3A_456 = arith.mulf %sub3A_455, %broadcast_in_dim3A_34 : vector<16xf32>
      %sub3A_457 = arith.subf %get3A_425, %mul3A_456 : vector<16xf32>
      %sub3A_458 = arith.subf %get3A_428, %mul3A_456 : vector<16xf32>
      %sub3A_459 = arith.subf %get3A_431, %mul3A_456 : vector<16xf32>
      %sub3A_460 = arith.subf %get3A_434, %mul3A_456 : vector<16xf32>
      %mul3A_461 = arith.mulf %sub3A_457, %sub3A_457 : vector<16xf32>
      %mul3A_462 = arith.mulf %sub3A_458, %sub3A_458 : vector<16xf32>
      %add3A_463 = arith.addf %mul3A_461, %mul3A_462 : vector<16xf32>
      %mul3A_464 = arith.mulf %sub3A_459, %sub3A_459 : vector<16xf32>
      %add3A_465 = arith.addf %add3A_463, %mul3A_464 : vector<16xf32>
      %mul3A_466 = arith.mulf %sub3A_460, %sub3A_460 : vector<16xf32>
      %add3A_467 = arith.addf %add3A_465, %mul3A_466 : vector<16xf32>
      %broadcast_in_dim3A_468 = arith.constant true
      %broadcast_in_dim3A_469 = vector.broadcast %broadcast_in_dim3A_468 : i1 to vector<16xi1>
      %masked_cumsum3A_470 = tpu.scan <sum>, %add3A_467 masked %broadcast_in_dim3A_469 : vector<16xf32>, vector<16xi1> -> vector<16xf32>
      %rev3A_471 = arith.constant 15 : i32
      %rev3A_472 = vector.broadcast %rev3A_471 : i32 to vector<16xi32>
      %rev3A_473 = tpu.iota {dimensions = array<i32: 0>} : vector<16xi32>
      %rev3A_474 = arith.subi %rev3A_472, %rev3A_473 : vector<16xi32>
      %rev3A_475 = tpu.dynamic_gather %add3A_467[%rev3A_474] in [0] : vector<16xf32>, vector<16xi32> -> vector<16xf32>
      %broadcast_in_dim3A_476 = arith.constant true
      %broadcast_in_dim3A_477 = vector.broadcast %broadcast_in_dim3A_476 : i1 to vector<16xi1>
      %masked_cumsum3A_478 = tpu.scan <sum>, %rev3A_475 masked %broadcast_in_dim3A_477 : vector<16xf32>, vector<16xi1> -> vector<16xf32>
      %rev3A_479 = arith.constant 15 : i32
      %rev3A_480 = vector.broadcast %rev3A_479 : i32 to vector<16xi32>
      %rev3A_481 = tpu.iota {dimensions = array<i32: 0>} : vector<16xi32>
      %rev3A_482 = arith.subi %rev3A_480, %rev3A_481 : vector<16xi32>
      %rev3A_483 = tpu.dynamic_gather %masked_cumsum3A_478[%rev3A_482] in [0] : vector<16xf32>, vector<16xi32> -> vector<16xf32>
      %add3A_484 = arith.addf %masked_cumsum3A_470, %rev3A_483 : vector<16xf32>
      %sub3A_485 = arith.subf %add3A_484, %add3A_467 : vector<16xf32>
      %mul3A_486 = arith.mulf %sub3A_485, %broadcast_in_dim3A_34 : vector<16xf32>
      %add3A_487 = arith.addf %mul3A_486, %broadcast_in_dim3A_36 : vector<16xf32>
      %bitcast3A_488 = vector.bitcast %add3A_487 : vector<16xf32> to vector<16xi32>
      %shift_right_arithmetic3A_489 = arith.constant 1 : i32
      %shift_right_arithmetic3A_490 = vector.broadcast %shift_right_arithmetic3A_489 : i32 to vector<16xi32>
      %shift_right_arithmetic3A_491 = arith.shrsi %bitcast3A_488, %shift_right_arithmetic3A_490 : vector<16xi32>
      %sub3A_492 = arith.constant 1597463007 : i32
      %sub3A_493 = vector.broadcast %sub3A_492 : i32 to vector<16xi32>
      %sub3A_494 = arith.subi %sub3A_493, %shift_right_arithmetic3A_491 : vector<16xi32>
      %bitcast3A_495 = vector.bitcast %sub3A_494 : vector<16xi32> to vector<16xf32>
      %mul3A_496 = arith.constant 5.000000e-01 : f32
      %mul3A_497 = vector.broadcast %mul3A_496 : f32 to vector<16xf32>
      %mul3A_498 = arith.mulf %add3A_487, %mul3A_497 : vector<16xf32>
      %mul3A_499 = arith.mulf %mul3A_498, %bitcast3A_495 : vector<16xf32>
      %mul3A_500 = arith.mulf %mul3A_499, %bitcast3A_495 : vector<16xf32>
      %sub3A_501 = arith.constant 1.500000e+00 : f32
      %sub3A_502 = vector.broadcast %sub3A_501 : f32 to vector<16xf32>
      %sub3A_503 = arith.subf %sub3A_502, %mul3A_500 : vector<16xf32>
      %mul3A_504 = arith.mulf %bitcast3A_495, %sub3A_503 : vector<16xf32>
      %mul3A_505 = arith.mulf %mul3A_498, %mul3A_504 : vector<16xf32>
      %mul3A_506 = arith.mulf %mul3A_505, %mul3A_504 : vector<16xf32>
      %sub3A_507 = arith.constant 1.500000e+00 : f32
      %sub3A_508 = vector.broadcast %sub3A_507 : f32 to vector<16xf32>
      %sub3A_509 = arith.subf %sub3A_508, %mul3A_506 : vector<16xf32>
      %mul3A_510 = arith.mulf %mul3A_504, %sub3A_509 : vector<16xf32>
      %mul3A_511 = arith.mulf %mul3A_498, %mul3A_510 : vector<16xf32>
      %mul3A_512 = arith.mulf %mul3A_511, %mul3A_510 : vector<16xf32>
      %sub3A_513 = arith.constant 1.500000e+00 : f32
      %sub3A_514 = vector.broadcast %sub3A_513 : f32 to vector<16xf32>
      %sub3A_515 = arith.subf %sub3A_514, %mul3A_512 : vector<16xf32>
      %mul3A_516 = arith.mulf %mul3A_510, %sub3A_515 : vector<16xf32>
      %mul3A_517 = arith.constant 64 : i32
      %mul3A_518 = arith.muli %scan3A_422, %mul3A_517 : i32
      %mul3A_519 = arith.mulf %sub3A_457, %mul3A_516 : vector<16xf32>
      %mul3A_520 = arith.mulf %mul3A_519, %get3A_19 : vector<16xf32>
      %add3A_521 = arith.addf %mul3A_520, %get3A_27 : vector<16xf32>
      %add3A_522 = arith.constant 0 : i32
      %add3A_523 = arith.addi %mul3A_518, %add3A_522 : i32
      %swap3A_524 = arith.index_cast %add3A_523 : i32 to index
      %swap3A_525 = tpu.vector_load %arg9[%swap3A_524] {strides = array<i32>} : memref<32768xf32, #tpu.memory_space<vmem>>, vector<16xf32>,
      tpu.vector_store %arg9[%swap3A_524], %add3A_521 {strides = array<i32>} : memref<32768xf32, #tpu.memory_space<vmem>>, vector<16xf32>,
      %mul3A_526 = arith.mulf %sub3A_458, %mul3A_516 : vector<16xf32>
      %mul3A_527 = arith.mulf %mul3A_526, %get3A_21 : vector<16xf32>
      %add3A_528 = arith.addf %mul3A_527, %get3A_29 : vector<16xf32>
      %add3A_529 = arith.constant 16 : i32
      %add3A_530 = arith.addi %mul3A_518, %add3A_529 : i32
      %swap3A_531 = arith.index_cast %add3A_530 : i32 to index
      %swap3A_532 = tpu.vector_load %arg9[%swap3A_531] {strides = array<i32>} : memref<32768xf32, #tpu.memory_space<vmem>>, vector<16xf32>,
      tpu.vector_store %arg9[%swap3A_531], %add3A_528 {strides = array<i32>} : memref<32768xf32, #tpu.memory_space<vmem>>, vector<16xf32>,
      %mul3A_533 = arith.mulf %sub3A_459, %mul3A_516 : vector<16xf32>
      %mul3A_534 = arith.mulf %mul3A_533, %get3A_23 : vector<16xf32>
      %add3A_535 = arith.addf %mul3A_534, %get3A_31 : vector<16xf32>
      %add3A_536 = arith.constant 32 : i32
      %add3A_537 = arith.addi %mul3A_518, %add3A_536 : i32
      %swap3A_538 = arith.index_cast %add3A_537 : i32 to index
      %swap3A_539 = tpu.vector_load %arg9[%swap3A_538] {strides = array<i32>} : memref<32768xf32, #tpu.memory_space<vmem>>, vector<16xf32>,
      tpu.vector_store %arg9[%swap3A_538], %add3A_535 {strides = array<i32>} : memref<32768xf32, #tpu.memory_space<vmem>>, vector<16xf32>,
      %mul3A_540 = arith.mulf %sub3A_460, %mul3A_516 : vector<16xf32>
      %mul3A_541 = arith.mulf %mul3A_540, %get3A_25 : vector<16xf32>
      %add3A_542 = arith.addf %mul3A_541, %get3A_33 : vector<16xf32>
      %add3A_543 = arith.constant 48 : i32
      %add3A_544 = arith.addi %mul3A_518, %add3A_543 : i32
      %swap3A_545 = arith.index_cast %add3A_544 : i32 to index
      %swap3A_546 = tpu.vector_load %arg9[%swap3A_545] {strides = array<i32>} : memref<32768xf32, #tpu.memory_space<vmem>>, vector<16xf32>,
      tpu.vector_store %arg9[%swap3A_545], %add3A_542 {strides = array<i32>} : memref<32768xf32, #tpu.memory_space<vmem>>, vector<16xf32>,
    }
    %scan3A_47 = arith.constant 512 : i32
    %mul3A_48 = arith.constant 64 : i32
    %mul3A_49 = arith.muli %mul3A_2, %mul3A_48 : i32
    "tpu.region"() ({
      %run_scoped3A_50 = tpu.sem_alloc : memref<!tpu.dma_semaphore, #tpu.memory_space<semaphore_mem>>
      %dma_start3A = tpu.memref_slice %arg6[%mul3A_49] : memref<1048576xf32, #tpu.memory_space<hbm>> -> memref<32768xf32, #tpu.memory_space<hbm>>
      %dma_start3A_51 = tpu.memref_slice %arg6[%mul3A_49] : memref<1048576xf32, #tpu.memory_space<hbm>> -> memref<32768xf32, #tpu.memory_space<hbm>>
      tpu.enqueue_dma source(%arg9 : memref<32768xf32, #tpu.memory_space<vmem>>) target(%dma_start3A_51 : memref<32768xf32, #tpu.memory_space<hbm>>) target_semaphore(%run_scoped3A_50 : memref<!tpu.dma_semaphore, #tpu.memory_space<semaphore_mem>>)
      %dma_wait3A_52 = tpu.memref_slice %arg6[%mul3A_49] : memref<1048576xf32, #tpu.memory_space<hbm>> -> memref<32768xf32, #tpu.memory_space<hbm>>
      %dma_wait3A_53 = tpu.memref_slice %arg6[%mul3A_49] : memref<1048576xf32, #tpu.memory_space<hbm>> -> memref<32768xf32, #tpu.memory_space<hbm>>
      tpu.wait_dma2 semaphore(%run_scoped3A_50 : memref<!tpu.dma_semaphore, #tpu.memory_space<semaphore_mem>>) src(%arg9 : memref<32768xf32, #tpu.memory_space<vmem>>) dst(%dma_wait3A_53 : memref<32768xf32, #tpu.memory_space<hbm>>)
      tpu.yield
    }) : () -> ()
    return
  }
}

</mosaic_0001>

<sc_bundles>
// kernel: _ln_embed.3.cloned.1.call-start
scs
__scs_entry_jumppad:
0x0: {  	(pc) =	sbr.rel $0x88, $3  }
0x1: {  	(tag) =	ssettag $0x0;
	lr =	simm.s32 $0x1  }
0x2: {  	[smem:$0x3F9D] =	sst lr;
	_ =	strace $0xD0000000  }
0x3: {  	_ = 	snop  }
0x4: {  	_ = 	snop  }
0x5: {  	_ = 	snop  }
0x6: {  	_ = 	snop  }
0x7: {  	_ = 	snop  }
__scs_overlays_trampoline_lowered:
0x8: {  	[smem:$0x3FAC] =	sst s0  }
0x9: {  	[smem:$0x3FAD] =	sst s1  }
0xa: {  	[smem:$0x3FAE] =	sst s2  }
0xb: {  	[smem:$0x3FAF] =	sst s3  }
0xc: {  	[smem:$0x3FB0] =	sst s4  }
0xd: {  	[smem:$0x3FB1] =	sst s5  }
0xe: {  	[smem:$0x3FB2] =	sst s6  }
0xf: {  	[smem:$0x3FB3] =	sst s7  }
0x10: {  	[smem:$0x3FB4] =	sst s8  }
0x11: {  	[smem:$0x3FB5] =	sst s9;
	s0 =	simm.s32 @!p0 $0x0  }
0x12: {  	s1 =	sld [smem:$0x3F9B];
	s0 =	simm.s32 @p0 $0x1  }
0x13: {  	[smem:$0x3FB6] =	sst s0;
	s0 =	simm.s32 @!p1 $0x0  }
0x14: {  	s2 =	sld [smem:$0x3F9A];
	s0 =	simm.s32 @p1 $0x1  }
0x15: {  	[smem:$0x3FB7] =	sst s0;
	s0 =	simm.s32 @!p2 $0x0  }
0x16: {  	s3 =	sld [smem:$0x3FDB];
	s0 =	simm.s32 @p2 $0x1  }
0x17: {  	s4 =	simm.s32 $0x1BF5;
	[smem:$0x3FB9] =	sst s0  }
0x18: {  	s0 =	sld [smem:$0x3F9C];
	_ =	swait.ge [sflag:s4], $0x0  }
0x19: {  	s7 =	sld [smem:$0x3F9D]  }
0x1a: {  	s8 =	sadd.s32 $0xFFFFE003, lr  }
0x1b: {  	s9 =	sadd.s32 $0xFFFFFEF7, lr;
	s5 =	simm.s32 $0xFFFFFFFF;
	p2 =	slt.u32 s8, $0xFFFFF086  }
0x1c: {  	p1 =	slt.u32 s9, $0xF7A;
	s5 =	simm.s32 @!p2 $0x0  }
0x1d: {  	s5 =	simm.s32 @p1 $0x1;
	p0 =	seq.s32 s7, s2  }
0x1e: {  	s7 =	smul.u32 @!p0 $0xF7A, s2;
	p2 =	seq.s32 @!p0 s5, $0x0  }
0x1f: {  	s9 =	smul.u32 $0xF7A, s1;
	s8 =	simm.s32 @!p0 $0x1BF5;
	p2 =	por !p2, p0  }
0x20: {  	[sflag:s8] =	ssyncset.s32 @!p0 $0xFFFFF086;
	s6 =	sadd.s32 @!p0 s3, s7;
	s7 =	simm.s32 @!p0 $0x108  }
0x21: {  	s3 =	sadd.s32 s3, s9;
	s6 =	sadd.s32 @!p0 $0x88, s6;
	s7 =	simm.s32 @p2 $0x1082  }
0x22: {  	[simem:s7], [sflag:s8] =	dma.local @!p0 [hbm:s6], $0xF7A  }
0x23: {  	s9 =	sor.u32 $0xD0000000, s2;
	s6 =	simm.s32 $0x108;
	_ =	swait.ge @!p0 [sflag:s8], $0x0  }
0x24: {  	s3 =	sadd.s32 $0x88, s3;
	s6 =	simm.s32 @!p1 $0x1082;
	[sflag:s4] =	ssyncset.s32 $0xFFFFF086  }
0x25: {  	[simem:s6], [sflag:s4] =	dma.local [hbm:s3], $0xF7A  }
0x26: {  	[smem:$0x3F9D] =	sst s1;
	(tag) =	ssettag s2;
	_ =	strace s9  }
0x27: {  	s1 =	sld [smem:$0x3FAD]  }
0x28: {  	s2 =	sld [smem:$0x3FAE]  }
0x29: {  	s4 =	sld [smem:$0x3FB0]  }
0x2a: {  	p0 =	seq.s32 s5, $0x0;
	s5 =	sld [smem:$0x3FB1]  }
0x2b: {  	s6 =	sld [smem:$0x3FB2]  }
0x2c: {  	s7 =	sld [smem:$0x3FB3]  }
0x2d: {  	s3 =	simm.s32 $0x108;
	s8 =	sld [smem:$0x3FB4]  }
0x2e: {  	s3 =	simm.s32 @!p0 $0x1082;
	s9 =	sld [smem:$0x3FB5]  }
0x2f: {  	lr =	sadd.s32 s0, s3;
	s0 =	sld [smem:$0x3FAC]  }
0x30: {  	s3 =	sld [smem:$0x3FAF]  }
0x31: {  	[smem:$0x3FB8] =	sst s10  }
0x32: {  	s10 =	sld [smem:$0x3FB6];
	_ =	sdelay $0x3  }
0x33: {  	p0 =	seq.s32 s10, $0x1;
	s10 =	sld [smem:$0x3FB8];
	_ =	sdelay $0x3  }
0x34: {  	[smem:$0x3FB8] =	sst s10  }
0x35: {  	s10 =	sld [smem:$0x3FB7];
	_ =	sdelay $0x3  }
0x36: {  	p1 =	seq.s32 s10, $0x1;
	s10 =	sld [smem:$0x3FB8];
	_ =	sdelay $0x3  }
0x37: {  	[smem:$0x3FB8] =	sst s10  }
0x38: {  	s10 =	sld [smem:$0x3FB9]  }
0x39: {  	_ = 	snop;
	(pc) =	sbr.ind lr, $3  }
0x3a: {  	_ = 	snop  }
0x3b: {  	_ = 	snop  }
0x3c: {  	p2 =	seq.s32 s10, $0x1;
	s10 =	sld [smem:$0x3FB8]  }
0x3d: {  	_ =	shalt  }
0x3e: {  	_ =	shalt  }
0x3f: {  	_ =	shalt  }
0x40: {  	_ =	shalt  }
0x41: {  	_ =	shalt  }
0x42: {  	_ =	shalt  }
0x43: {  	_ =	shalt  }
0x44: {  	_ =	shalt  }
0x45: {  	_ =	shalt  }
0x46: {  	_ =	shalt  }
0x47: {  	_ =	shalt  }
0x48: {  	_ =	shalt  }
0x49: {  	_ =	shalt  }
0x4a: {  	_ =	shalt  }
0x4b: {  	_ =	shalt  }
0x4c: {  	_ =	shalt  }
0x4d: {  	_ =	shalt  }
0x4e: {  	_ =	shalt  }
0x4f: {  	_ =	shalt  }
0x50: {  	_ =	shalt  }
0x51: {  	_ =	shalt  }
0x52: {  	_ =	shalt  }
0x53: {  	_ =	shalt  }
0x54: {  	_ =	shalt  }
0x55: {  	_ =	shalt  }
0x56: {  	_ =	shalt  }
0x57: {  	_ =	shalt  }
0x58: {  	_ =	shalt  }
0x59: {  	_ =	shalt  }
0x5a: {  	_ =	shalt  }
0x5b: {  	_ =	shalt  }
0x5c: {  	_ =	shalt  }
0x5d: {  	_ =	shalt  }
0x5e: {  	_ =	shalt  }
0x5f: {  	_ =	shalt  }
0x60: {  	_ =	shalt  }
0x61: {  	_ =	shalt  }
0x62: {  	_ =	shalt  }
0x63: {  	_ =	shalt  }
0x64: {  	_ =	shalt  }
0x65: {  	_ =	shalt  }
0x66: {  	_ =	shalt  }
0x67: {  	_ =	shalt  }
0x68: {  	_ =	shalt  }
0x69: {  	_ =	shalt  }
0x6a: {  	_ =	shalt  }
0x6b: {  	_ =	shalt  }
0x6c: {  	_ =	shalt  }
0x6d: {  	_ =	shalt  }
0x6e: {  	_ =	shalt  }
0x6f: {  	_ =	shalt  }
0x70: {  	_ =	shalt  }
0x71: {  	_ =	shalt  }
0x72: {  	_ =	shalt  }
0x73: {  	_ =	shalt  }
0x74: {  	_ =	shalt  }
0x75: {  	_ =	shalt  }
0x76: {  	_ =	shalt  }
0x77: {  	_ =	shalt  }
0x78: {  	_ =	shalt  }
0x79: {  	_ =	shalt  }
0x7a: {  	_ =	shalt  }
0x7b: {  	_ =	shalt  }
0x7c: {  	_ =	shalt  }
0x7d: {  	_ =	shalt  }
0x7e: {  	_ =	shalt  }
0x7f: {  	_ =	shalt  }
0x80: {  	_ =	shalt  }
0x81: {  	_ =	shalt  }
0x82: {  	_ =	shalt  }
0x83: {  	_ =	shalt  }
0x84: {  	_ =	shalt  }
0x85: {  	_ =	shalt  }
0x86: {  	_ =	shalt  }
0x87: {  	_ =	shalt  }
.Lfunc_end0:
.L_simem_size_0:
called_computation_lowered:
.L_overlay_start_0:
0x88: {  	s2 =	sld [smem:$0x3FD9]  }
0x89: {  	s3 =	sld [smem:$0x3FFE];
	_ =	sdelay $0x1  }
0x8a: {  	s1 =	srdreg.scid  }
0x8b: {  	s0 =	sand.u32 $0x1, s1  }
0x8c: {  	s18 =	sshll.u32 s0, $0xA;
	s2 =	sadd.s32 s3, s2  }
0x8d: {  	s2 =	sadd.s32 s2, s18  }
0x8e: {  	[smem:$0x3FC4] =	sst s2  }
0x8f: {  	_ = 	snop  }
0x90: {  	s2 =	sld [smem:$0x3FC9]  }
0x91: {  	s19 =	sld [smem:$0x3FC8]  }
0x92: {  	s4 =	sld [smem:$0x3FC7]  }
0x93: {  	s5 =	sld [smem:$0x3FC6]  }
0x94: {  	s6 =	sld [smem:$0x3FD0];
	(tm) =	ssettm $0x1  }
0x95: {  	s7 =	sld [smem:$0x3FFB];
	_ =	sdelay $0x3  }
0x96: {  	_ =	strace s7  }
0x97: {  	s7 =	sld [smem:$0x3FFC];
	_ =	sdelay $0x3  }
0x98: {  	_ =	strace s7  }
0x99: {  	s7 =	sld [smem:$0x3FFD];
	_ =	sdelay $0x3  }
0x9a: {  	_ =	strace s7  }
0x9b: {  	_ =	strace $0x8FFFFFFF  }
0x9c: {  	s20 =	sld [smem:$0x3FDB];
	_ =	sdelay $0x1  }
0x9d: {  	s8 =	simm.s32 $_scs_section_size  }
0x9e: {  	s9 =	simm.s32 $_size__tile_overlayer_lowered;
	s10 =	simm.s32 $_tile_overlayer_lowered  }
0x9f: {  	s23 =	simm.s32 $0x1BFF;
	s22 =	sshll.u32 s10, $0x1;
	s7 =	sadd.s32 s8, s20  }
0xa0: {  	s11 =	simm.s32 $0x0;
	s21 =	sshll.u32 s9, $0x1;
	s9 =	sadd.s32 s22, s7  }
0xa1: {  	[timem:s11], [sflag:s23] =	dma.local [hbm:s9], s21  }
0xa2: {  	_ =	swait.ge [sflag:s23], s21  }
0xa3: {  	s8 =	ssub.s32 $0x0, s21;
	[sflag:s23] =	ssyncset.done $0x0  }
0xa4: {  	[sflag:s23] =	ssyncadd.s32 s8;
	_ =	sdelay $0x1  }
0xa5: {  	s24 =	simm.s32 $0x1B8B  }
0xa6: {  	_ =	swait.ge [sflag:s24], $0x1  }
0xa7: {  	[sflag:s24] =	ssyncset.done $0x0  }
0xa8: {  	s25 =	simm.s32 $0x1B8E;
	[sflag:s24] =	ssyncadd.s32 $0xFFFFFFFF  }
0xa9: {  	s26 =	simm.s32 $execute0_lowered;
	[smem:$0x3FD2] =	sst s25  }
0xaa: {  	s8 =	sshll.u32 s26, $0x1;
	_ =	strace $0x80000046;
	[dreg:$0x1] =	wrdreg $0xFFFFFFFF  }
0xab: {  	s28 =	simm.s32 $_size_execute0_lowered;
	s7 =	sadd.s32 s7, s8;
	[dreg:$0x0] =	wrdreg $0x0  }
0xac: {  	s8 =	sshll.u32 s28, $0x1;
	[dreg:$0x2] =	wrdreg s7  }
0xad: {  	[dreg:$0x3] =	wrdreg s8  }
0xae: {  	[dreg:$0x4] =	wrdreg $0xC0  }
0xaf: {  	_ =	task [dreg:s11], $0x5FFFF  }
0xb0: {  	[dreg:$0x1] =	wrdreg $0xFFFFFFFF  }
0xb1: {  	[dreg:$0x0] =	wrdreg $0x60  }
0xb2: {  	[dreg:$0x2] =	wrdreg s2  }
0xb3: {  	[dreg:$0x3] =	wrdreg s19  }
0xb4: {  	[dreg:$0x4] =	wrdreg s4  }
0xb5: {  	[dreg:$0x5] =	wrdreg s5  }
0xb6: {  	[dreg:$0x6] =	wrdreg s6  }
0xb7: {  	[dreg:$0x7] =	wrdreg $0x9  }
0xb8: {  	_ =	task.clear_ibuf [dreg:s11], $0x8FFFF;
	_ =	strace $0x90000046  }
0xb9: {  	s29 =	simm.s32 $0x9;
	_ =	strace $0x80000048  }
0xba: {  	_ =	swait.ge [sflag:s29], $0x1  }
0xbb: {  	[sflag:s29] =	ssyncadd.s32 $0xFFFFFFFF  }
0xbc: {  	_ =	strace $0x90000048  }
0xbd: {  	_ =	sfence  }
0xbe: {  	s30 =	sld [smem:$0x0];
	_ =	sdelay $0x2  }
0xbf: {  	s31 =	sshll.u32 s1, $0xD;
	s1 =	sshrl.u32 s1, $0x2  }
0xc0: {  	s3 =	sand.u32 $0x4000, s31;
	s1 =	sadd.s32 s1, s30  }
0xc1: {  	s0 =	sor.u32 s3, s0;
	s1 =	sshll.u32 s1, $0x11  }
0xc2: {  	s0 =	sor.u32 s1, s0  }
0xc3: {  	s0 =	sadd.s32 $0x8F2B, s0  }
0xc4: {  	[sflag:s0] =	ssyncadd.remote.s32 $0x1  }
0xc5: {  	_ =	sfence.sel $0xFFFF  }
0xc6: {  	[dreg:$0x0] =	wrdreg $0xFFFFFFFF;
	(pc) =	sbr.abs _section_cstart, $3  }
0xc7: {  	[dreg:$0x1] =	wrdreg $0xFFFFFFFF  }
0xc8: {  	_ =	task.clear_ibuf [dreg:s11], $0x2FFFF;
	_ =	strace $0x9FFFFFFF  }
0xc9: {  	(tm) =	ssettm $0x7FFFFFFF  }
tec
execute0_lowered:
.L_overlay_start_1:
0x0: {  	(tag) =	ssettag $0x1  }
0x1: {  	s6 =	rddreg [dreg:$0x0]  }
0x2: {  	s1 =	rddreg [dreg:$0x1]  }
0x3: {  	s3 =	rddreg [dreg:$0x2]  }
0x4: {  	s4 =	rddreg [dreg:$0x3]  }
0x5: {  	s10 =	rddreg [dreg:$0x4]  }
0x6: {  	s5 =	srdreg.scid;
	s2 =	stileid.u32  }
0x7: {  	s0 =	rddreg [dreg:$0x5];
	s13 =	simm.s32 $0x2;
	s14 =	simm.s32 $0x18280  }
0x8: {  	s15 =	simm.s32 $0x80;
	s16 =	simm.s32 $0x100;
	s17 =	simm.s32 $0x180  }
0x9: {  	s18 =	simm.s32 $0x1;
	s19 =	simm.s32 $0x10200;
	s20 =	simm.s32 $0x0  }
0xa: {  	s7 =	sand.u32 $0x1, s5;
	s8 =	sshll.u32 s2, $0x1;
	s5 =	simm.s32 $0x0  }
0xb: {  	s9 =	ssub.s32 $0x2, s7;
	s11 =	sor.u32 s7, s8;
	[smem:$0x7FF] =	sst s5  }
0xc: {  	v0 =	vlaneseq.u32;
	s31 =	sshrl.u32 s9, $0x1;
	s8 =	sshll.u32 s11, $0x6;
	_ =	strace $0x80000047  }
0xd: {  	v0 =	vmul.u32 $0xFFFFFFFF, v0;
	s11 =	sshll.u32 s11, $0xC;
	s12 =	ssub.s32 s9, s31;
	s6 =	sadd.s32 s6, s8  }
0xe: {  	s10 =	sadd.s32 s10, s11;
	s7 =	sadd.s32 $0x10, s6;
	s8 =	sadd.s32 $0x20, s6  }
0xf: {  	vm0 =	vmmov $0xffff;
	v0 =	vadd.s32 $0xF, v0;
	s9 =	sadd.s32 $0x30, s6;
	s11 =	smax.u32 s12, $0x1;
	s12 =	simm.s32 $0x18200  }
.LBB2_1:
0x10: {  	[tilespmem:s12], [sflag:$0x2] =	stream.linear.gather [hbm4b:s3+s5], $0x80, $0x38;
	[tilespmem:$0x18300] =	vst v63  }
0x11: {  	_ =	swait.ge [sflag:s13], $0x80  }
0x12: {  	[sflag:s13] =	ssyncset.done $0x0  }
0x13: {  	[sflag:s13] =	ssyncadd.s32 $0xFFFFFF80  }
0x14: {  	[tilespmem:s14], [sflag:$0x2] =	stream.linear.gather [hbm4b:s4+s5], $0x80, $0x38;
	[tilespmem:$0x18300] =	vst v63  }
0x15: {  	_ =	swait.ge [sflag:s13], $0x80  }
0x16: {  	[sflag:s13] =	ssyncset.done $0x0  }
0x17: {  	[sflag:s13] =	ssyncadd.s32 $0xFFFFFF80  }
0x18: {  	[tilespmem:s5], [sflag:$0x2] =	stream.linear.gather [hbm4b:s6+s5], $0x80, $0x38;
	[tilespmem:$0x18300] =	vst v63  }
0x19: {  	_ =	swait.ge [sflag:s13], $0x80  }
0x1a: {  	[sflag:s13] =	ssyncset.done $0x0  }
0x1b: {  	[sflag:s13] =	ssyncadd.s32 $0xFFFFFF80  }
0x1c: {  	[tilespmem:s15], [sflag:$0x2] =	stream.linear.gather [hbm4b:s7+s5], $0x80, $0x38;
	[tilespmem:$0x18300] =	vst v63  }
0x1d: {  	_ =	swait.ge [sflag:s13], $0x80  }
0x1e: {  	[sflag:s13] =	ssyncset.done $0x0  }
0x1f: {  	[sflag:s13] =	ssyncadd.s32 $0xFFFFFF80  }
0x20: {  	[tilespmem:s16], [sflag:$0x2] =	stream.linear.gather [hbm4b:s8+s5], $0x80, $0x38;
	[tilespmem:$0x18300] =	vst v63  }
0x21: {  	_ =	swait.ge [sflag:s13], $0x80  }
0x22: {  	[sflag:s13] =	ssyncset.done $0x0  }
0x23: {  	[sflag:s13] =	ssyncadd.s32 $0xFFFFFF80  }
0x24: {  	[tilespmem:s17], [sflag:$0x2] =	stream.linear.gather [hbm4b:s9+s5], $0x80, $0x38;
	[tilespmem:$0x18300] =	vst v63  }
0x25: {  	_ =	swait.ge [sflag:s13], $0x80  }
0x26: {  	[sflag:s13] =	ssyncset.done $0x0  }
0x27: {  	s21 =	sand.u32 $0x1F0, s5;
	[sflag:s13] =	ssyncadd.s32 $0xFFFFFF80  }
0x28: {  	v1 =	vld [tilespmem:s21+$0x0];
	_ =	sdelay $0x5  }
0x29: {  	s22 =	simm.s32 $0x10  }
0x2a: {  	s22 =	sand.u32 $0x1F0, s22;
	s21 =	simm.s32 $0x200  }
0x2b: {  	[tilespmem:s21], [sflag:$0x1] =	stream.indirect_vreg.gather [hbm4b:s1+s5], $0x80, v1, vm0, $0xb8;
	[tilespmem:$0x18300] =	vst v63  }
0x2c: {  	v1 =	vld [tilespmem:s22+$0x0];
	s22 =	simm.s32 $0x20  }
.LBB2_2:
0x2d: {  	p0 =	sne.s32 s22, $0x1F0;
	_ =	sdelay $0x3  }
.Ltmp0:
0x2e: {  	(pc) =	sbr.rel @p0 .LBB2_2-.Ltmp0, $4  }
0x2f: {  	_ = 	snop  }
0x30: {  	s23 =	sand.u32 $0x1F0, s22;
	s21 =	sadd.s32 $0x800, s21  }
0x31: {  	[tilespmem:s21], [sflag:$0x1] =	stream.indirect_vreg.gather [hbm4b:s1+s5], $0x80, v1, vm0, $0xb8;
	[tilespmem:$0x18300] =	vst v63  }
0x32: {  	s22 =	sadd.s32 $0x10, s22;
	v1 =	vld [tilespmem:s23+$0x0]  }
0x33: {  	_ =	sdelay $0x6  }
0x34: {  	s21 =	sadd.s32 $0x800, s21  }
0x35: {  	[tilespmem:s21], [sflag:$0x1] =	stream.indirect_vreg.gather [hbm4b:s1+s5], $0x80, v1, vm0, $0xb8;
	[tilespmem:$0x18300] =	vst v63  }
0x36: {  	v1 =	vld [tilespmem:$0x18200]  }
0x37: {  	v2 =	vld [tilespmem:$0x18210]  }
0x38: {  	v3 =	vld [tilespmem:$0x18220]  }
0x39: {  	v4 =	vld [tilespmem:$0x18230]  }
0x3a: {  	v5 =	vld [tilespmem:$0x18280]  }
0x3b: {  	v6 =	vld [tilespmem:$0x18290]  }
0x3c: {  	v7 =	vld [tilespmem:$0x182A0]  }
0x3d: {  	v8 =	vld [tilespmem:$0x182B0];
	_ =	swait.ge [sflag:s18], $0x10000  }
0x3e: {  	s22 =	simm.s32 $0xC0;
	s23 =	simm.s32 $0x10280;
	[sflag:s18] =	ssyncset.done $0x0  }
0x3f: {  	s24 =	simm.s32 $0x300;
	s21 =	simm.s32 $0xFFFFFFFC;
	[sflag:s18] =	ssyncadd.s32 $0xFFFF0000  }
.LBB2_4:
0x40: {  	v9 =	vld [tilespmem:s24+$0xFFFFFF00]  }
0x41: {  	v10 =	vld [tilespmem:s24+$0xFFFFFF10];
	_ =	sdelay $0x1  }
0x42: {  	v11 =	vld [tilespmem:s24+$0xFFFFFF20];
	_ =	sdelay $0x1  }
0x43: {  	v12 =	vld [tilespmem:s24+$0xFFFFFF30]  }
0x44: {  	v13 =	vadd.f32 v10, v9;
	_ =	sdelay $0x1  }
0x45: {  	v13 =	vadd.f32 v11, v13;
	_ =	sdelay $0x1  }
0x46: {  	v13 =	vadd.f32 v12, v13;
	_ =	sdelay $0x1  }
0x47: {  	v14 =	vperm.xlane v13, v0  }
0x48: {  	(xrf2) =	vadd.scan.msk.f32 $0xffff, v13  }
0x49: {  	(xrf2) =	vadd.scan.msk.f32 $0xffff, v14;
	_ =	sdelay $0x8  }
0x4a: {  	v60, _, _ =	vpop (xrf2)  }
0x4b: {  	v15, _, _ =	vpop (xrf2)  }
0x4c: {  	v15 =	vperm.xlane v15, v0;
	_ =	sdelay $0x1  }
0x4d: {  	v14 =	vadd.f32 v60, v15;
	_ =	sdelay $0x1  }
0x4e: {  	v13 =	vsub.f32 v14, v13;
	_ =	sdelay $0x1  }
0x4f: {  	v13 =	vmul.f32 $1.562500000e-02, v13;
	_ =	sdelay $0x1  }
0x50: {  	v9 =	vsub.f32 v9, v13;
	v10 =	vsub.f32 v10, v13;
	_ =	sdelay $0x1  }
0x51: {  	v11 =	vsub.f32 v11, v13;
	v61 =	vmul.f32 v9, v9;
	v62 =	vmul.f32 v10, v10;
	_ =	sdelay $0x1  }
0x52: {  	v12 =	vsub.f32 v12, v13;
	v16 =	vmul.f32 v11, v11;
	v63 =	vadd.f32 v62, v61;
	_ =	sdelay $0x1  }
0x53: {  	v17 =	vmul.f32 v12, v12;
	v13 =	vadd.f32 v63, v16;
	_ =	sdelay $0x1  }
0x54: {  	v13 =	vadd.f32 v13, v17;
	_ =	sdelay $0x1  }
0x55: {  	v14 =	vperm.xlane v13, v0  }
0x56: {  	(xrf2) =	vadd.scan.msk.f32 $0xffff, v13  }
0x57: {  	(xrf2) =	vadd.scan.msk.f32 $0xffff, v14;
	_ =	sdelay $0x8  }
0x58: {  	v18, _, _ =	vpop (xrf2)  }
0x59: {  	v19, _, _ =	vpop (xrf2)  }
0x5a: {  	v15 =	vperm.xlane v19, v0;
	_ =	sdelay $0x1  }
0x5b: {  	v14 =	vadd.f32 v18, v15;
	_ =	sdelay $0x1  }
0x5c: {  	v13 =	vsub.f32 v14, v13;
	_ =	sdelay $0x1  }
0x5d: {  	v13 =	vmul.f32 $1.562500000e-02, v13;
	_ =	sdelay $0x1  }
0x5e: {  	v13 =	vadd.f32 $9.999999740e-06, v13;
	_ =	sdelay $0x1  }
0x5f: {  	v20 =	vshra.s32 v13, $0x1;
	v13 =	vmul.f32 $5.000000000e-01, v13  }
0x60: {  	v14 =	vsub.s32 $0x5F3759DF, v20  }
0x61: {  	v21 =	vmul.f32 v14, v13;
	_ =	sdelay $0x1  }
0x62: {  	v15 =	vmul.f32 v14, v21;
	_ =	sdelay $0x1  }
0x63: {  	v15 =	vsub.f32 $1.500000000e+00, v15;
	_ =	sdelay $0x1  }
0x64: {  	v14 =	vmul.f32 v14, v15;
	_ =	sdelay $0x1  }
0x65: {  	v15 =	vmul.f32 v14, v13;
	_ =	sdelay $0x1  }
0x66: {  	v15 =	vmul.f32 v15, v14;
	_ =	sdelay $0x1  }
0x67: {  	v15 =	vsub.f32 $1.500000000e+00, v15;
	_ =	sdelay $0x1  }
0x68: {  	v14 =	vmul.f32 v15, v14;
	_ =	sdelay $0x1  }
0x69: {  	v13 =	vmul.f32 v14, v13;
	_ =	sdelay $0x1  }
0x6a: {  	v13 =	vmul.f32 v13, v14;
	_ =	sdelay $0x1  }
0x6b: {  	v13 =	vsub.f32 $1.500000000e+00, v13;
	_ =	sdelay $0x1  }
0x6c: {  	v13 =	vmul.f32 v13, v14;
	_ =	sdelay $0x1  }
0x6d: {  	v9 =	vmul.f32 v13, v9  }
0x6e: {  	v10 =	vmul.f32 v13, v10  }
0x6f: {  	v11 =	vmul.f32 v13, v11;
	v9 =	vmul.f32 v9, v1  }
0x70: {  	v12 =	vmul.f32 v13, v12;
	v10 =	vmul.f32 v10, v2  }
0x71: {  	v11 =	vmul.f32 v11, v3;
	v9 =	vadd.f32 v9, v5  }
0x72: {  	v12 =	vmul.f32 v12, v4;
	v10 =	vadd.f32 v10, v6  }
0x73: {  	[tilespmem:s23+$0xFFFFFF80] =	vst v9;
	v9 =	vadd.f32 v11, v7  }
0x74: {  	[tilespmem:s23+$0xFFFFFF90] =	vst v10;
	v10 =	vadd.f32 v12, v8  }
0x75: {  	[tilespmem:s23+$0xFFFFFFA0] =	vst v9  }
0x76: {  	[tilespmem:s23+$0xFFFFFFB0] =	vst v10  }
0x77: {  	v9 =	vld [tilespmem:s24+$0xFFFFFF80]  }
0x78: {  	v10 =	vld [tilespmem:s24+$0xFFFFFF90];
	_ =	sdelay $0x1  }
0x79: {  	v11 =	vld [tilespmem:s24+$0xFFFFFFA0];
	_ =	sdelay $0x1  }
0x7a: {  	v22 =	vld [tilespmem:s24+$0xFFFFFFB0]  }
0x7b: {  	v23 =	vadd.f32 v10, v9;
	_ =	sdelay $0x1  }
0x7c: {  	v13 =	vadd.f32 v11, v23;
	_ =	sdelay $0x1  }
0x7d: {  	v13 =	vadd.f32 v22, v13;
	_ =	sdelay $0x1  }
0x7e: {  	v24 =	vperm.xlane v13, v0  }
0x7f: {  	(xrf2) =	vadd.scan.msk.f32 $0xffff, v13  }
0x80: {  	(xrf2) =	vadd.scan.msk.f32 $0xffff, v24;
	_ =	sdelay $0x8  }
0x81: {  	v25, _, _ =	vpop (xrf2)  }
0x82: {  	v26, _, _ =	vpop (xrf2)  }
0x83: {  	v15 =	vperm.xlane v26, v0;
	_ =	sdelay $0x1  }
0x84: {  	v14 =	vadd.f32 v25, v15;
	_ =	sdelay $0x1  }
0x85: {  	v13 =	vsub.f32 v14, v13;
	_ =	sdelay $0x1  }
0x86: {  	v13 =	vmul.f32 $1.562500000e-02, v13;
	_ =	sdelay $0x1  }
0x87: {  	v9 =	vsub.f32 v9, v13;
	v10 =	vsub.f32 v10, v13;
	_ =	sdelay $0x1  }
0x88: {  	v11 =	vsub.f32 v11, v13;
	v27 =	vmul.f32 v9, v9;
	v28 =	vmul.f32 v10, v10;
	_ =	sdelay $0x1  }
0x89: {  	v12 =	vsub.f32 v22, v13;
	v30 =	vmul.f32 v11, v11;
	v29 =	vadd.f32 v28, v27;
	_ =	sdelay $0x1  }
0x8a: {  	v31 =	vmul.f32 v12, v12;
	v13 =	vadd.f32 v29, v30;
	_ =	sdelay $0x1  }
0x8b: {  	v13 =	vadd.f32 v13, v31;
	_ =	sdelay $0x1  }
0x8c: {  	v14 =	vperm.xlane v13, v0  }
0x8d: {  	(xrf2) =	vadd.scan.msk.f32 $0xffff, v13  }
0x8e: {  	(xrf2) =	vadd.scan.msk.f32 $0xffff, v14;
	_ =	sdelay $0x8  }
0x8f: {  	v32, _, _ =	vpop (xrf2)  }
0x90: {  	v33, _, _ =	vpop (xrf2)  }
0x91: {  	v15 =	vperm.xlane v33, v0;
	_ =	sdelay $0x1  }
0x92: {  	v14 =	vadd.f32 v32, v15;
	_ =	sdelay $0x1  }
0x93: {  	v13 =	vsub.f32 v14, v13;
	_ =	sdelay $0x1  }
0x94: {  	v13 =	vmul.f32 $1.562500000e-02, v13;
	_ =	sdelay $0x1  }
0x95: {  	v13 =	vadd.f32 $9.999999740e-06, v13;
	_ =	sdelay $0x1  }
0x96: {  	v34 =	vshra.s32 v13, $0x1;
	v13 =	vmul.f32 $5.000000000e-01, v13  }
0x97: {  	v14 =	vsub.s32 $0x5F3759DF, v34  }
0x98: {  	v35 =	vmul.f32 v14, v13;
	_ =	sdelay $0x1  }
0x99: {  	v15 =	vmul.f32 v14, v35;
	_ =	sdelay $0x1  }
0x9a: {  	v15 =	vsub.f32 $1.500000000e+00, v15;
	_ =	sdelay $0x1  }
0x9b: {  	v14 =	vmul.f32 v14, v15;
	_ =	sdelay $0x1  }
0x9c: {  	v15 =	vmul.f32 v14, v13;
	_ =	sdelay $0x1  }
0x9d: {  	v15 =	vmul.f32 v15, v14;
	_ =	sdelay $0x1  }
0x9e: {  	v15 =	vsub.f32 $1.500000000e+00, v15;
	_ =	sdelay $0x1  }
0x9f: {  	v14 =	vmul.f32 v15, v14;
	_ =	sdelay $0x1  }
0xa0: {  	v13 =	vmul.f32 v14, v13;
	_ =	sdelay $0x1  }
0xa1: {  	v13 =	vmul.f32 v13, v14;
	_ =	sdelay $0x1  }
0xa2: {  	v13 =	vsub.f32 $1.500000000e+00, v13;
	_ =	sdelay $0x1  }
0xa3: {  	v13 =	vmul.f32 v13, v14;
	_ =	sdelay $0x1  }
0xa4: {  	v9 =	vmul.f32 v13, v9  }
0xa5: {  	v10 =	vmul.f32 v13, v10  }
0xa6: {  	v11 =	vmul.f32 v13, v11;
	v9 =	vmul.f32 v9, v1  }
0xa7: {  	v12 =	vmul.f32 v13, v12;
	v10 =	vmul.f32 v10, v2  }
0xa8: {  	v11 =	vmul.f32 v11, v3;
	v9 =	vadd.f32 v9, v5  }
0xa9: {  	s25 =	sadd.s32 $0xFFFFFF80, s22;
	v12 =	vmul.f32 v12, v4;
	v10 =	vadd.f32 v10, v6  }
0xaa: {  	s26 =	sor.u32 $0x50, s25;
	[tilespmem:s23+$0xFFFFFFC0] =	vst v9;
	v9 =	vadd.f32 v11, v7  }
0xab: {  	s28 =	sor.u32 $0x60, s25;
	[tilespmem:s26+$0x10200] =	vst v10;
	v10 =	vadd.f32 v12, v8  }
0xac: {  	s25 =	sor.u32 $0x70, s25;
	[tilespmem:s28+$0x10200] =	vst v9  }
0xad: {  	[tilespmem:s25+$0x10200] =	vst v10  }
0xae: {  	v9 =	vld [tilespmem:s24+$0x0]  }
0xaf: {  	v10 =	vld [tilespmem:s24+$0x10];
	_ =	sdelay $0x1  }
0xb0: {  	v11 =	vld [tilespmem:s24+$0x20];
	_ =	sdelay $0x1  }
0xb1: {  	v36 =	vld [tilespmem:s24+$0x30]  }
0xb2: {  	v37 =	vadd.f32 v10, v9;
	_ =	sdelay $0x1  }
0xb3: {  	v13 =	vadd.f32 v11, v37;
	_ =	sdelay $0x1  }
0xb4: {  	v13 =	vadd.f32 v36, v13;
	_ =	sdelay $0x1  }
0xb5: {  	v38 =	vperm.xlane v13, v0  }
0xb6: {  	(xrf2) =	vadd.scan.msk.f32 $0xffff, v13  }
0xb7: {  	(xrf2) =	vadd.scan.msk.f32 $0xffff, v38;
	_ =	sdelay $0x8  }
0xb8: {  	v39, _, _ =	vpop (xrf2)  }
0xb9: {  	v40, _, _ =	vpop (xrf2)  }
0xba: {  	v15 =	vperm.xlane v40, v0;
	_ =	sdelay $0x1  }
0xbb: {  	v14 =	vadd.f32 v39, v15;
	_ =	sdelay $0x1  }
0xbc: {  	v13 =	vsub.f32 v14, v13;
	_ =	sdelay $0x1  }
0xbd: {  	v13 =	vmul.f32 $1.562500000e-02, v13;
	_ =	sdelay $0x1  }
0xbe: {  	v9 =	vsub.f32 v9, v13;
	v10 =	vsub.f32 v10, v13;
	_ =	sdelay $0x1  }
0xbf: {  	v11 =	vsub.f32 v11, v13;
	v41 =	vmul.f32 v9, v9;
	v42 =	vmul.f32 v10, v10;
	_ =	sdelay $0x1  }
0xc0: {  	v12 =	vsub.f32 v36, v13;
	v44 =	vmul.f32 v11, v11;
	v43 =	vadd.f32 v42, v41;
	_ =	sdelay $0x1  }
0xc1: {  	v45 =	vmul.f32 v12, v12;
	v13 =	vadd.f32 v43, v44;
	_ =	sdelay $0x1  }
0xc2: {  	v13 =	vadd.f32 v13, v45;
	_ =	sdelay $0x1  }
0xc3: {  	v14 =	vperm.xlane v13, v0  }
0xc4: {  	(xrf2) =	vadd.scan.msk.f32 $0xffff, v13  }
0xc5: {  	(xrf2) =	vadd.scan.msk.f32 $0xffff, v14;
	_ =	sdelay $0x8  }
0xc6: {  	v46, _, _ =	vpop (xrf2)  }
0xc7: {  	v47, _, _ =	vpop (xrf2)  }
0xc8: {  	v15 =	vperm.xlane v47, v0;
	_ =	sdelay $0x1  }
0xc9: {  	v14 =	vadd.f32 v46, v15;
	_ =	sdelay $0x1  }
0xca: {  	v13 =	vsub.f32 v14, v13;
	_ =	sdelay $0x1  }
0xcb: {  	v13 =	vmul.f32 $1.562500000e-02, v13;
	_ =	sdelay $0x1  }
0xcc: {  	v13 =	vadd.f32 $9.999999740e-06, v13;
	_ =	sdelay $0x1  }
0xcd: {  	v48 =	vshra.s32 v13, $0x1;
	v13 =	vmul.f32 $5.000000000e-01, v13  }
0xce: {  	v14 =	vsub.s32 $0x5F3759DF, v48  }
0xcf: {  	v49 =	vmul.f32 v14, v13;
	_ =	sdelay $0x1  }
0xd0: {  	v15 =	vmul.f32 v14, v49;
	_ =	sdelay $0x1  }
0xd1: {  	v15 =	vsub.f32 $1.500000000e+00, v15;
	_ =	sdelay $0x1  }
0xd2: {  	v14 =	vmul.f32 v14, v15;
	_ =	sdelay $0x1  }
0xd3: {  	v15 =	vmul.f32 v14, v13;
	_ =	sdelay $0x1  }
0xd4: {  	v15 =	vmul.f32 v15, v14;
	_ =	sdelay $0x1  }
0xd5: {  	v15 =	vsub.f32 $1.500000000e+00, v15;
	_ =	sdelay $0x1  }
0xd6: {  	v14 =	vmul.f32 v15, v14;
	_ =	sdelay $0x1  }
0xd7: {  	v13 =	vmul.f32 v14, v13;
	_ =	sdelay $0x1  }
0xd8: {  	v13 =	vmul.f32 v13, v14;
	_ =	sdelay $0x1  }
0xd9: {  	v13 =	vsub.f32 $1.500000000e+00, v13;
	_ =	sdelay $0x1  }
0xda: {  	v13 =	vmul.f32 v13, v14;
	_ =	sdelay $0x1  }
0xdb: {  	v9 =	vmul.f32 v13, v9  }
0xdc: {  	v10 =	vmul.f32 v13, v10  }
0xdd: {  	v11 =	vmul.f32 v13, v11;
	v9 =	vmul.f32 v9, v1  }
0xde: {  	v12 =	vmul.f32 v13, v12;
	v10 =	vmul.f32 v10, v2  }
0xdf: {  	v11 =	vmul.f32 v11, v3;
	v9 =	vadd.f32 v9, v5  }
0xe0: {  	v12 =	vmul.f32 v12, v4;
	v10 =	vadd.f32 v10, v6  }
0xe1: {  	[tilespmem:s23+$0x0] =	vst v9;
	v9 =	vadd.f32 v11, v7  }
0xe2: {  	[tilespmem:s23+$0x10] =	vst v10;
	v10 =	vadd.f32 v12, v8  }
0xe3: {  	[tilespmem:s23+$0x20] =	vst v9  }
0xe4: {  	[tilespmem:s23+$0x30] =	vst v10  }
0xe5: {  	v9 =	vld [tilespmem:s24+$0x80]  }
0xe6: {  	v10 =	vld [tilespmem:s24+$0x90];
	_ =	sdelay $0x1  }
0xe7: {  	v11 =	vld [tilespmem:s24+$0xA0];
	_ =	sdelay $0x1  }
0xe8: {  	v50 =	vld [tilespmem:s24+$0xB0]  }
0xe9: {  	v51 =	vadd.f32 v10, v9;
	_ =	sdelay $0x1  }
0xea: {  	v13 =	vadd.f32 v11, v51;
	_ =	sdelay $0x1  }
0xeb: {  	v13 =	vadd.f32 v50, v13;
	_ =	sdelay $0x1  }
0xec: {  	v52 =	vperm.xlane v13, v0  }
0xed: {  	(xrf2) =	vadd.scan.msk.f32 $0xffff, v13  }
0xee: {  	(xrf2) =	vadd.scan.msk.f32 $0xffff, v52;
	_ =	sdelay $0x8  }
0xef: {  	v53, _, _ =	vpop (xrf2)  }
0xf0: {  	v54, _, _ =	vpop (xrf2)  }
0xf1: {  	v15 =	vperm.xlane v54, v0;
	_ =	sdelay $0x1  }
0xf2: {  	v14 =	vadd.f32 v53, v15;
	_ =	sdelay $0x1  }
0xf3: {  	v13 =	vsub.f32 v14, v13;
	_ =	sdelay $0x1  }
0xf4: {  	v13 =	vmul.f32 $1.562500000e-02, v13;
	_ =	sdelay $0x1  }
0xf5: {  	v9 =	vsub.f32 v9, v13;
	v10 =	vsub.f32 v10, v13;
	_ =	sdelay $0x1  }
0xf6: {  	v11 =	vsub.f32 v11, v13;
	v55 =	vmul.f32 v9, v9;
	v56 =	vmul.f32 v10, v10;
	_ =	sdelay $0x1  }
0xf7: {  	v12 =	vsub.f32 v50, v13;
	v58 =	vmul.f32 v11, v11;
	v57 =	vadd.f32 v56, v55;
	_ =	sdelay $0x1  }
0xf8: {  	v59 =	vmul.f32 v12, v12;
	v13 =	vadd.f32 v57, v58;
	_ =	sdelay $0x1  }
0xf9: {  	v13 =	vadd.f32 v13, v59;
	_ =	sdelay $0x1  }
0xfa: {  	v14 =	vperm.xlane v13, v0  }
0xfb: {  	(xrf2) =	vadd.scan.msk.f32 $0xffff, v13  }
0xfc: {  	(xrf2) =	vadd.scan.msk.f32 $0xffff, v14;
	_ =	sdelay $0x8  }
0xfd: {  	v60, _, _ =	vpop (xrf2)  }
0xfe: {  	v61, _, _ =	vpop (xrf2)  }
0xff: {  	v15 =	vperm.xlane v61, v0;
	_ =	sdelay $0x1  }
0x100: {  	v14 =	vadd.f32 v60, v15;
	_ =	sdelay $0x1  }
0x101: {  	v13 =	vsub.f32 v14, v13;
	_ =	sdelay $0x1  }
0x102: {  	v13 =	vmul.f32 $1.562500000e-02, v13;
	_ =	sdelay $0x1  }
0x103: {  	v13 =	vadd.f32 $9.999999740e-06, v13;
	_ =	sdelay $0x1  }
0x104: {  	v62 =	vshra.s32 v13, $0x1;
	v13 =	vmul.f32 $5.000000000e-01, v13  }
0x105: {  	v14 =	vsub.s32 $0x5F3759DF, v62  }
0x106: {  	v63 =	vmul.f32 v14, v13;
	_ =	sdelay $0x1  }
0x107: {  	v15 =	vmul.f32 v14, v63;
	_ =	sdelay $0x1  }
0x108: {  	v15 =	vsub.f32 $1.500000000e+00, v15;
	_ =	sdelay $0x1  }
0x109: {  	v14 =	vmul.f32 v14, v15;
	_ =	sdelay $0x1  }
0x10a: {  	v15 =	vmul.f32 v14, v13;
	_ =	sdelay $0x1  }
0x10b: {  	v15 =	vmul.f32 v15, v14;
	_ =	sdelay $0x1  }
0x10c: {  	v15 =	vsub.f32 $1.500000000e+00, v15;
	_ =	sdelay $0x1  }
0x10d: {  	v14 =	vmul.f32 v15, v14;
	_ =	sdelay $0x1  }
0x10e: {  	v13 =	vmul.f32 v14, v13;
	_ =	sdelay $0x1  }
0x10f: {  	v13 =	vmul.f32 v13, v14;
	_ =	sdelay $0x1  }
0x110: {  	v13 =	vsub.f32 $1.500000000e+00, v13;
	_ =	sdelay $0x1  }
0x111: {  	v13 =	vmul.f32 v13, v14;
	_ =	sdelay $0x1  }
0x112: {  	v9 =	vmul.f32 v13, v9  }
0x113: {  	v10 =	vmul.f32 v13, v10  }
0x114: {  	v11 =	vmul.f32 v13, v11;
	v9 =	vmul.f32 v9, v1  }
0x115: {  	s21 =	sadd.s32 $0x4, s21;
	v12 =	vmul.f32 v13, v12;
	v10 =	vmul.f32 v10, v2  }
0x116: {  	p0 =	slt.u32 s21, $0x1FC;
	v11 =	vmul.f32 v11, v3;
	v9 =	vadd.f32 v9, v5  }
.Ltmp1:
0x117: {  	v12 =	vmul.f32 v12, v4;
	v10 =	vadd.f32 v10, v6;
	(pc) =	sbr.rel @p0 .LBB2_4-.Ltmp1, $4  }
0x118: {  	s29 =	sor.u32 $0x50, s22;
	[tilespmem:s23+$0x40] =	vst v9;
	v9 =	vadd.f32 v11, v7  }
0x119: {  	s30 =	sor.u32 $0x60, s22;
	[tilespmem:s29+$0x10200] =	vst v10;
	v10 =	vadd.f32 v12, v8  }
0x11a: {  	s31 =	sor.u32 $0x70, s22;
	[tilespmem:s30+$0x10200] =	vst v9  }
0x11b: {  	s22 =	sadd.s32 $0x100, s22;
	s24 =	sadd.s32 $0x200, s24;
	s23 =	sadd.s32 $0x100, s23;
	[tilespmem:s31+$0x10200] =	vst v10  }
0x11c: {  	s20 =	sadd.s32 $0x1, s20  }
0x11d: {  	p0 =	sne.s32 s20, s11  }
.Ltmp2:
0x11e: {  	_ = 	snop;
	(pc) =	sbr.rel @p0 .LBB2_1-.Ltmp2, $4  }
0x11f: {  	[hbm4b:s10+s5] =	stream.linear.scatter [tilespmem:s19], [sflag:$0x2], $0x8000, $0x38;
	[tilespmem:$0x18300] =	vst v63  }
0x120: {  	_ =	swait.ge [sflag:s13], $0x8000  }
0x121: {  	[sflag:s13] =	ssyncset.done $0x0  }
0x122: {  	[sflag:s13] =	ssyncadd.s32 $0xFFFF8000  }
0x123: {  	_ =	sfence.sel $0x180000  }
0x124: {  	[bflag:$0x0] =	sbarrier.arrive $0xFFFF  }
0x125: {  	p0 =	sne.s32 s2, $0x0;
	_ =	strace $0x90000047  }
0x126: {  	s0 =	sadd.s32 @!p0 $0x100000, s0;
	[bflag:$0x2] =	sbarrier.arrive $0xFFFF  }
0x127: {  	[sflag:s0] =	ssyncadd.tile.s32 @!p0 $0x1;
	_ =	shalt  }
.Lfunc_end2:
_tile_overlayer_lowered:
.L_overlay_start_2:
0x128: {  	(tag) =	ssettag $0x2  }
0x129: {  	s0 =	rddreg [dreg:$0x0];
	s2 =	stileid.u32  }
0x12a: {  	s1 =	rddreg [dreg:$0x1];
	p0 =	sne.s32 s2, $0x0  }
0x12b: {  	s3 =	rddreg [dreg:$0x2];
	[bflag:$0x3] =	sbarrier.arrive $0xFFFF;
	s2 =	simm.s32 @!p0 $0x1C02  }
0x12c: {  	[timem:s3], [sflag:s2] =	dma.local @!p0 [hbm:s0], s1  }
0x12d: {  	s0 =	simm.s32 @!p0 $0x2  }
0x12e: {  	_ =	swait.ge @!p0 [sflag:s0], s1  }
0x12f: {  	s1 =	ssub.s32 @!p0 $0x0, s1;
	[sflag:s0] =	ssyncset.done @!p0 $0x0  }
0x130: {  	[sflag:s0] =	ssyncadd.s32 @!p0 s1  }
0x131: {  	[bflag:$0x3] =	sbarrier.arrive $0xFFFF  }
0x132: {  	_ =	shalt  }

</sc_bundles>
